<compile_context>
chip_gen: v7x
topology: tpu7x:2x2x1
jax: 0.10.2.dev20260603
libtpu: 0.0.44.dev20260713+nightly
codegen_flags: <defaults>
</compile_context>

<pallas_src>
import jax
import jax.numpy as jnp
from jax import lax
from jax.experimental import pallas as pl
from jax.experimental.pallas import tpu as pltpu
from jax.experimental.pallas import tpu_sc as plsc

N_ATOMS = 100000
LANES = 16
NUM_CORES = 1
NUM_WORKERS = 16 * NUM_CORES
MAIN = (N_ATOMS // NUM_WORKERS) // LANES * LANES
TAIL = N_ATOMS - MAIN * NUM_WORKERS
BUF = MAIN + TAIL
SQRT_SHIFT = 1e-6
REF_VALUE = 1.0


def _shift_vec(cn_vec, kap_vec):
    x = cn_vec + SQRT_SHIFT
    xi = plsc.bitcast(x, jnp.int32)
    yi = jnp.int32(0x5F3759DF) - lax.shift_right_logical(xi, 1)
    y = plsc.bitcast(yi, jnp.float32)
    half_x = 0.5 * x
    for _ in range(2):
        y = y * (1.5 - half_x * y * y)
    return REF_VALUE + kap_vec * (x * y)


def _body(cn_hbm, sp_hbm, kap_hbm, out_hbm, cn_v, sp_v, out_v, kap_v, sem):
    wid = lax.axis_index("s") * NUM_CORES + lax.axis_index("c")
    base = wid * MAIN
    is_last = wid == NUM_WORKERS - 1

    c1 = pltpu.async_copy(kap_hbm, kap_v, sem)
    c2 = pltpu.async_copy(cn_hbm.at[pl.ds(base, MAIN)], cn_v.at[pl.ds(0, MAIN)], sem)
    c3 = pltpu.async_copy(sp_hbm.at[pl.ds(base, MAIN)], sp_v.at[pl.ds(0, MAIN)], sem)

    @pl.when(is_last)
    def _tail_in():
        t1 = pltpu.async_copy(
            cn_hbm.at[pl.ds(MAIN * NUM_WORKERS, TAIL)], cn_v.at[pl.ds(MAIN, TAIL)], sem
        )
        t2 = pltpu.async_copy(
            sp_hbm.at[pl.ds(MAIN * NUM_WORKERS, TAIL)], sp_v.at[pl.ds(MAIN, TAIL)], sem
        )
        t1.wait()
        t2.wait()

    c1.wait()
    c2.wait()
    c3.wait()

    def _compute(off):
        cn_vec = cn_v[pl.ds(off, LANES)]
        sp_vec = sp_v[pl.ds(off, LANES)]
        kap_vec = plsc.load_gather(kap_v, [sp_vec])
        out_v[pl.ds(off, LANES)] = _shift_vec(cn_vec, kap_vec)

    plsc.parallel_loop(0, MAIN, step=LANES, unroll=8)(_compute)

    o1 = pltpu.async_copy(out_v.at[pl.ds(0, MAIN)], out_hbm.at[pl.ds(base, MAIN)], sem)

    @pl.when(is_last)
    def _tail_out():
        plsc.parallel_loop(MAIN, BUF, step=LANES, unroll=2)(_compute)
        pltpu.async_copy(
            out_v.at[pl.ds(MAIN, TAIL)],
            out_hbm.at[pl.ds(MAIN * NUM_WORKERS, TAIL)],
            sem,
        ).wait()

    o1.wait()


@jax.jit
def _cnshift_sc(cn, species, kappa):
    mesh = plsc.VectorSubcoreMesh(
        core_axis_name="c", subcore_axis_name="s", num_cores=NUM_CORES
    )
    return pl.kernel(
        _body,
        mesh=mesh,
        out_type=jax.ShapeDtypeStruct((N_ATOMS,), jnp.float32),
        compiler_params=pltpu.CompilerParams(
            needs_layout_passes=False, use_tc_tiling_on_sc=False
        ),
        scratch_types=[
            pltpu.VMEM((BUF,), jnp.float32),
            pltpu.VMEM((BUF,), jnp.int32),
            pltpu.VMEM((BUF,), jnp.float32),
            pltpu.VMEM((94,), jnp.float32),
            pltpu.SemaphoreType.DMA,
        ],
    )(cn, species, kappa)


def kernel(cn, species, kappa):
    return _cnshift_sc(cn, species, kappa)

# --- scband reference (transcript-rebuilt; emitter-appended) ---
"""Pipeline reference for scband-cnshift-996432413161 (READ-ONLY COPY).

The authoritative reference and input builder live on the scoring server;
editing this copy changes nothing except your own understanding.
"""

import jax, jax.numpy as jnp
import numpy as np

N_ATOMS = 100000
N_SPECIES = 94  # len(D3_COV_RADII)
SQRT_SHIFT = 1e-06
CN_POW = 0.5
REF_VALUE = 1.0


def setup_inputs(seed: int = 0) -> dict:
    key = jax.random.key(seed)
    k1, k2, k3 = jax.random.split(key, 3)
    # coordination numbers: non-negative, realistic range [0, 12)
    cn = jax.random.uniform(k1, (N_ATOMS,), dtype=jnp.float32) * 12.0
    species = jax.random.randint(k2, (N_ATOMS,), 0, N_SPECIES, dtype=jnp.int32)
    # learned per-element kappa parameter (module inits to zeros; use small randn
    # so the computation / gradients are non-degenerate)
    kappa = jax.random.normal(k3, (N_SPECIES,), dtype=jnp.float32) * 0.1
    return {"cn": cn, "species": species, "kappa": kappa}


def reference(cn, species, kappa):
    # kappa lookup per atom: embedding gather
    kappai = jnp.take(kappa, species, axis=0)
    shift = kappai * (cn + SQRT_SHIFT) ** CN_POW
    # ref_value is a float (1.0); enforce_positive=False so no celu
    out = REF_VALUE + shift
    return out

if __name__ == "__main__":
    import jax
    _d = setup_inputs()
    print(jax.jit(kernel)(*tuple(_d.values())))

</pallas_src>

<mosaic_0001>
#map = affine_map<(d0, d1) -> (0)>
module attributes {stable_mosaic.version = 14 : i64} {
  func.func @_body(%arg0: i32, %arg1: i32, %arg2: memref<100000xf32, #tpu.memory_space<hbm>>, %arg3: memref<100000xi32, #tpu.memory_space<hbm>>, %arg4: memref<94xf32, #tpu.memory_space<hbm>>, %arg5: memref<100000xf32, #tpu.memory_space<hbm>>, %arg6: memref<6400xf32, #tpu.memory_space<vmem>>, %arg7: memref<6400xi32, #tpu.memory_space<vmem>>, %arg8: memref<6400xf32, #tpu.memory_space<vmem>>, %arg9: memref<94xf32, #tpu.memory_space<vmem>>, %arg10: memref<!tpu.dma_semaphore, #tpu.memory_space<semaphore_mem>>) attributes {dimension_semantics = [#tpu.dimension_semantics<core_parallel>, #tpu.dimension_semantics<subcore_parallel>], iteration_bounds = array<i64: 1, 16>, scalar_prefetch = 0 : i64, scratch_operands = 5 : i64, tpu.core_type = #tpu.core_type<sc_vector_subcore>, window_params = [{transform_indices = #map}, {transform_indices = #map}, {transform_indices = #map}, {transform_indices = #map}]} {
    %mul3A = arith.constant 1 : i32
    %mul3A_0 = arith.muli %arg1, %mul3A : i32
    %add3A = arith.addi %mul3A_0, %arg0 : i32
    %mul3A_1 = arith.constant 6240 : i32
    %mul3A_2 = arith.muli %add3A, %mul3A_1 : i32
    %eq3A = arith.constant 15 : i32
    %eq3A_3 = arith.cmpi eq, %add3A, %eq3A : i32
    tpu.enqueue_dma source(%arg4 : memref<94xf32, #tpu.memory_space<hbm>>) target(%arg9 : memref<94xf32, #tpu.memory_space<vmem>>) target_semaphore(%arg10 : memref<!tpu.dma_semaphore, #tpu.memory_space<semaphore_mem>>)
    %dma_start3A = arith.constant 0 : i32
    %dma_start3A_4 = tpu.memref_slice %arg6[%dma_start3A] : memref<6400xf32, #tpu.memory_space<vmem>> -> memref<6240xf32, #tpu.memory_space<vmem>>
    %dma_start3A_5 = tpu.memref_slice %arg2[%mul3A_2] : memref<100000xf32, #tpu.memory_space<hbm>> -> memref<6240xf32, #tpu.memory_space<hbm>>
    %dma_start3A_6 = arith.constant 0 : i32
    %dma_start3A_7 = tpu.memref_slice %arg6[%dma_start3A_6] : memref<6400xf32, #tpu.memory_space<vmem>> -> memref<6240xf32, #tpu.memory_space<vmem>>
    %dma_start3A_8 = tpu.memref_slice %arg2[%mul3A_2] : memref<100000xf32, #tpu.memory_space<hbm>> -> memref<6240xf32, #tpu.memory_space<hbm>>
    tpu.enqueue_dma source(%dma_start3A_8 : memref<6240xf32, #tpu.memory_space<hbm>>) target(%dma_start3A_7 : memref<6240xf32, #tpu.memory_space<vmem>>) target_semaphore(%arg10 : memref<!tpu.dma_semaphore, #tpu.memory_space<semaphore_mem>>)
    %dma_start3A_9 = arith.constant 0 : i32
    %dma_start3A_10 = tpu.memref_slice %arg7[%dma_start3A_9] : memref<6400xi32, #tpu.memory_space<vmem>> -> memref<6240xi32, #tpu.memory_space<vmem>>
    %dma_start3A_11 = tpu.memref_slice %arg3[%mul3A_2] : memref<100000xi32, #tpu.memory_space<hbm>> -> memref<6240xi32, #tpu.memory_space<hbm>>
    %dma_start3A_12 = arith.constant 0 : i32
    %dma_start3A_13 = tpu.memref_slice %arg7[%dma_start3A_12] : memref<6400xi32, #tpu.memory_space<vmem>> -> memref<6240xi32, #tpu.memory_space<vmem>>
    %dma_start3A_14 = tpu.memref_slice %arg3[%mul3A_2] : memref<100000xi32, #tpu.memory_space<hbm>> -> memref<6240xi32, #tpu.memory_space<hbm>>
    tpu.enqueue_dma source(%dma_start3A_14 : memref<6240xi32, #tpu.memory_space<hbm>>) target(%dma_start3A_13 : memref<6240xi32, #tpu.memory_space<vmem>>) target_semaphore(%arg10 : memref<!tpu.dma_semaphore, #tpu.memory_space<semaphore_mem>>)
    %convert_element_type3A = arith.extui %eq3A_3 : i1 to i32
    %cond3A = arith.constant 0 : i32
    %cond3A_15 = arith.cmpi ne, %convert_element_type3A, %cond3A : i32
    scf.if %cond3A_15 {
      %dma_start3A_44 = arith.constant 6240 : i32
      %dma_start3A_45 = tpu.memref_slice %arg6[%dma_start3A_44] : memref<6400xf32, #tpu.memory_space<vmem>> -> memref<160xf32, #tpu.memory_space<vmem>>
      %dma_start3A_46 = arith.constant 99840 : i32
      %dma_start3A_47 = tpu.memref_slice %arg2[%dma_start3A_46] : memref<100000xf32, #tpu.memory_space<hbm>> -> memref<160xf32, #tpu.memory_space<hbm>>
      %dma_start3A_48 = arith.constant 6240 : i32
      %dma_start3A_49 = tpu.memref_slice %arg6[%dma_start3A_48] : memref<6400xf32, #tpu.memory_space<vmem>> -> memref<160xf32, #tpu.memory_space<vmem>>
      %dma_start3A_50 = arith.constant 99840 : i32
      %dma_start3A_51 = tpu.memref_slice %arg2[%dma_start3A_50] : memref<100000xf32, #tpu.memory_space<hbm>> -> memref<160xf32, #tpu.memory_space<hbm>>
      tpu.enqueue_dma source(%dma_start3A_51 : memref<160xf32, #tpu.memory_space<hbm>>) target(%dma_start3A_49 : memref<160xf32, #tpu.memory_space<vmem>>) target_semaphore(%arg10 : memref<!tpu.dma_semaphore, #tpu.memory_space<semaphore_mem>>)
      %dma_start3A_52 = arith.constant 6240 : i32
      %dma_start3A_53 = tpu.memref_slice %arg7[%dma_start3A_52] : memref<6400xi32, #tpu.memory_space<vmem>> -> memref<160xi32, #tpu.memory_space<vmem>>
      %dma_start3A_54 = arith.constant 99840 : i32
      %dma_start3A_55 = tpu.memref_slice %arg3[%dma_start3A_54] : memref<100000xi32, #tpu.memory_space<hbm>> -> memref<160xi32, #tpu.memory_space<hbm>>
      %dma_start3A_56 = arith.constant 6240 : i32
      %dma_start3A_57 = tpu.memref_slice %arg7[%dma_start3A_56] : memref<6400xi32, #tpu.memory_space<vmem>> -> memref<160xi32, #tpu.memory_space<vmem>>
      %dma_start3A_58 = arith.constant 99840 : i32
      %dma_start3A_59 = tpu.memref_slice %arg3[%dma_start3A_58] : memref<100000xi32, #tpu.memory_space<hbm>> -> memref<160xi32, #tpu.memory_space<hbm>>
      tpu.enqueue_dma source(%dma_start3A_59 : memref<160xi32, #tpu.memory_space<hbm>>) target(%dma_start3A_57 : memref<160xi32, #tpu.memory_space<vmem>>) target_semaphore(%arg10 : memref<!tpu.dma_semaphore, #tpu.memory_space<semaphore_mem>>)
      %dma_wait3A_60 = arith.constant 6240 : i32
      %dma_wait3A_61 = tpu.memref_slice %arg6[%dma_wait3A_60] : memref<6400xf32, #tpu.memory_space<vmem>> -> memref<160xf32, #tpu.memory_space<vmem>>
      %dma_wait3A_62 = arith.constant 99840 : i32
      %dma_wait3A_63 = tpu.memref_slice %arg2[%dma_wait3A_62] : memref<100000xf32, #tpu.memory_space<hbm>> -> memref<160xf32, #tpu.memory_space<hbm>>
      %dma_wait3A_64 = arith.constant 6240 : i32
      %dma_wait3A_65 = tpu.memref_slice %arg6[%dma_wait3A_64] : memref<6400xf32, #tpu.memory_space<vmem>> -> memref<160xf32, #tpu.memory_space<vmem>>
      %dma_wait3A_66 = arith.constant 99840 : i32
      %dma_wait3A_67 = tpu.memref_slice %arg2[%dma_wait3A_66] : memref<100000xf32, #tpu.memory_space<hbm>> -> memref<160xf32, #tpu.memory_space<hbm>>
      tpu.wait_dma2 semaphore(%arg10 : memref<!tpu.dma_semaphore, #tpu.memory_space<semaphore_mem>>) src(%dma_wait3A_67 : memref<160xf32, #tpu.memory_space<hbm>>) dst(%dma_wait3A_65 : memref<160xf32, #tpu.memory_space<vmem>>)
      %dma_wait3A_68 = arith.constant 6240 : i32
      %dma_wait3A_69 = tpu.memref_slice %arg7[%dma_wait3A_68] : memref<6400xi32, #tpu.memory_space<vmem>> -> memref<160xi32, #tpu.memory_space<vmem>>
      %dma_wait3A_70 = arith.constant 99840 : i32
      %dma_wait3A_71 = tpu.memref_slice %arg3[%dma_wait3A_70] : memref<100000xi32, #tpu.memory_space<hbm>> -> memref<160xi32, #tpu.memory_space<hbm>>
      %dma_wait3A_72 = arith.constant 6240 : i32
      %dma_wait3A_73 = tpu.memref_slice %arg7[%dma_wait3A_72] : memref<6400xi32, #tpu.memory_space<vmem>> -> memref<160xi32, #tpu.memory_space<vmem>>
      %dma_wait3A_74 = arith.constant 99840 : i32
      %dma_wait3A_75 = tpu.memref_slice %arg3[%dma_wait3A_74] : memref<100000xi32, #tpu.memory_space<hbm>> -> memref<160xi32, #tpu.memory_space<hbm>>
      tpu.wait_dma2 semaphore(%arg10 : memref<!tpu.dma_semaphore, #tpu.memory_space<semaphore_mem>>) src(%dma_wait3A_75 : memref<160xi32, #tpu.memory_space<hbm>>) dst(%dma_wait3A_73 : memref<160xi32, #tpu.memory_space<vmem>>)
    } else {
    }
    tpu.wait_dma2 semaphore(%arg10 : memref<!tpu.dma_semaphore, #tpu.memory_space<semaphore_mem>>) src(%arg4 : memref<94xf32, #tpu.memory_space<hbm>>) dst(%arg9 : memref<94xf32, #tpu.memory_space<vmem>>)
    %dma_wait3A = arith.constant 0 : i32
    %dma_wait3A_16 = tpu.memref_slice %arg6[%dma_wait3A] : memref<6400xf32, #tpu.memory_space<vmem>> -> memref<6240xf32, #tpu.memory_space<vmem>>
    %dma_wait3A_17 = tpu.memref_slice %arg2[%mul3A_2] : memref<100000xf32, #tpu.memory_space<hbm>> -> memref<6240xf32, #tpu.memory_space<hbm>>
    %dma_wait3A_18 = arith.constant 0 : i32
    %dma_wait3A_19 = tpu.memref_slice %arg6[%dma_wait3A_18] : memref<6400xf32, #tpu.memory_space<vmem>> -> memref<6240xf32, #tpu.memory_space<vmem>>
    %dma_wait3A_20 = tpu.memref_slice %arg2[%mul3A_2] : memref<100000xf32, #tpu.memory_space<hbm>> -> memref<6240xf32, #tpu.memory_space<hbm>>
    tpu.wait_dma2 semaphore(%arg10 : memref<!tpu.dma_semaphore, #tpu.memory_space<semaphore_mem>>) src(%dma_wait3A_20 : memref<6240xf32, #tpu.memory_space<hbm>>) dst(%dma_wait3A_19 : memref<6240xf32, #tpu.memory_space<vmem>>)
    %dma_wait3A_21 = arith.constant 0 : i32
    %dma_wait3A_22 = tpu.memref_slice %arg7[%dma_wait3A_21] : memref<6400xi32, #tpu.memory_space<vmem>> -> memref<6240xi32, #tpu.memory_space<vmem>>
    %dma_wait3A_23 = tpu.memref_slice %arg3[%mul3A_2] : memref<100000xi32, #tpu.memory_space<hbm>> -> memref<6240xi32, #tpu.memory_space<hbm>>
    %dma_wait3A_24 = arith.constant 0 : i32
    %dma_wait3A_25 = tpu.memref_slice %arg7[%dma_wait3A_24] : memref<6400xi32, #tpu.memory_space<vmem>> -> memref<6240xi32, #tpu.memory_space<vmem>>
    %dma_wait3A_26 = tpu.memref_slice %arg3[%mul3A_2] : memref<100000xi32, #tpu.memory_space<hbm>> -> memref<6240xi32, #tpu.memory_space<hbm>>
    tpu.wait_dma2 semaphore(%arg10 : memref<!tpu.dma_semaphore, #tpu.memory_space<semaphore_mem>>) src(%dma_wait3A_26 : memref<6240xi32, #tpu.memory_space<hbm>>) dst(%dma_wait3A_25 : memref<6240xi32, #tpu.memory_space<vmem>>)
    %parallel_loop3A = arith.constant 0 : i32
    %parallel_loop3A_27 = arith.constant 6240 : i32
    %parallel_loop3A_28 = arith.constant 16 : i32
    scf.for %parallel_loop3A_44 = %parallel_loop3A to %parallel_loop3A_27 step %parallel_loop3A_28  : i32 {
      %parallel_loop3A_45 = arith.index_cast %parallel_loop3A_44 : i32 to index
      %parallel_loop3A_46 = tpu.vector_load %arg6[%parallel_loop3A_45] {strides = array<i32>} : memref<6400xf32, #tpu.memory_space<vmem>>, vector<16xf32>,
      %parallel_loop3A_47 = arith.index_cast %parallel_loop3A_44 : i32 to index
      %parallel_loop3A_48 = tpu.vector_load %arg7[%parallel_loop3A_47] {strides = array<i32>} : memref<6400xi32, #tpu.memory_space<vmem>>, vector<16xi32>,
      %parallel_loop3A_49 = tpu.vector_load_idx %arg9[%parallel_loop3A_48] : memref<94xf32, #tpu.memory_space<vmem>>[vector<16xi32>], vector<16xf32>,
      %parallel_loop3A_50 = arith.constant 9.99999997E-7 : f32
      %parallel_loop3A_51 = vector.broadcast %parallel_loop3A_50 : f32 to vector<16xf32>
      %parallel_loop3A_52 = arith.addf %parallel_loop3A_46, %parallel_loop3A_51 : vector<16xf32>
      %parallel_loop3A_53 = vector.bitcast %parallel_loop3A_52 : vector<16xf32> to vector<16xi32>
      %parallel_loop3A_54 = arith.constant 1 : i32
      %parallel_loop3A_55 = vector.broadcast %parallel_loop3A_54 : i32 to vector<16xi32>
      %parallel_loop3A_56 = arith.shrui %parallel_loop3A_53, %parallel_loop3A_55 : vector<16xi32>
      %parallel_loop3A_57 = arith.constant 1597463007 : i32
      %parallel_loop3A_58 = vector.broadcast %parallel_loop3A_57 : i32 to vector<16xi32>
      %parallel_loop3A_59 = arith.subi %parallel_loop3A_58, %parallel_loop3A_56 : vector<16xi32>
      %parallel_loop3A_60 = vector.bitcast %parallel_loop3A_59 : vector<16xi32> to vector<16xf32>
      %parallel_loop3A_61 = arith.constant 5.000000e-01 : f32
      %parallel_loop3A_62 = vector.broadcast %parallel_loop3A_61 : f32 to vector<16xf32>
      %parallel_loop3A_63 = arith.mulf %parallel_loop3A_62, %parallel_loop3A_52 : vector<16xf32>
      %parallel_loop3A_64 = arith.mulf %parallel_loop3A_63, %parallel_loop3A_60 : vector<16xf32>
      %parallel_loop3A_65 = arith.mulf %parallel_loop3A_64, %parallel_loop3A_60 : vector<16xf32>
      %parallel_loop3A_66 = arith.constant 1.500000e+00 : f32
      %parallel_loop3A_67 = vector.broadcast %parallel_loop3A_66 : f32 to vector<16xf32>
      %parallel_loop3A_68 = arith.subf %parallel_loop3A_67, %parallel_loop3A_65 : vector<16xf32>
      %parallel_loop3A_69 = arith.mulf %parallel_loop3A_60, %parallel_loop3A_68 : vector<16xf32>
      %parallel_loop3A_70 = arith.mulf %parallel_loop3A_63, %parallel_loop3A_69 : vector<16xf32>
      %parallel_loop3A_71 = arith.mulf %parallel_loop3A_70, %parallel_loop3A_69 : vector<16xf32>
      %parallel_loop3A_72 = arith.constant 1.500000e+00 : f32
      %parallel_loop3A_73 = vector.broadcast %parallel_loop3A_72 : f32 to vector<16xf32>
      %parallel_loop3A_74 = arith.subf %parallel_loop3A_73, %parallel_loop3A_71 : vector<16xf32>
      %parallel_loop3A_75 = arith.mulf %parallel_loop3A_69, %parallel_loop3A_74 : vector<16xf32>
      %parallel_loop3A_76 = arith.mulf %parallel_loop3A_52, %parallel_loop3A_75 : vector<16xf32>
      %parallel_loop3A_77 = arith.mulf %parallel_loop3A_49, %parallel_loop3A_76 : vector<16xf32>
      %parallel_loop3A_78 = arith.constant 1.000000e+00 : f32
      %parallel_loop3A_79 = vector.broadcast %parallel_loop3A_78 : f32 to vector<16xf32>
      %parallel_loop3A_80 = arith.addf %parallel_loop3A_79, %parallel_loop3A_77 : vector<16xf32>
      %parallel_loop3A_81 = arith.index_cast %parallel_loop3A_44 : i32 to index
      %parallel_loop3A_82 = tpu.vector_load %arg8[%parallel_loop3A_81] {strides = array<i32>} : memref<6400xf32, #tpu.memory_space<vmem>>, vector<16xf32>,
      tpu.vector_store %arg8[%parallel_loop3A_81], %parallel_loop3A_80 {strides = array<i32>} : memref<6400xf32, #tpu.memory_space<vmem>>, vector<16xf32>,
    } {sc.loop_unroll_factor = 8 : i64, sc.parallel_access}
    %dma_start3A_29 = arith.constant 0 : i32
    %dma_start3A_30 = tpu.memref_slice %arg8[%dma_start3A_29] : memref<6400xf32, #tpu.memory_space<vmem>> -> memref<6240xf32, #tpu.memory_space<vmem>>
    %dma_start3A_31 = tpu.memref_slice %arg5[%mul3A_2] : memref<100000xf32, #tpu.memory_space<hbm>> -> memref<6240xf32, #tpu.memory_space<hbm>>
    %dma_start3A_32 = tpu.memref_slice %arg5[%mul3A_2] : memref<100000xf32, #tpu.memory_space<hbm>> -> memref<6240xf32, #tpu.memory_space<hbm>>
    %dma_start3A_33 = arith.constant 0 : i32
    %dma_start3A_34 = tpu.memref_slice %arg8[%dma_start3A_33] : memref<6400xf32, #tpu.memory_space<vmem>> -> memref<6240xf32, #tpu.memory_space<vmem>>
    tpu.enqueue_dma source(%dma_start3A_34 : memref<6240xf32, #tpu.memory_space<vmem>>) target(%dma_start3A_32 : memref<6240xf32, #tpu.memory_space<hbm>>) target_semaphore(%arg10 : memref<!tpu.dma_semaphore, #tpu.memory_space<semaphore_mem>>)
    %convert_element_type3A_35 = arith.extui %eq3A_3 : i1 to i32
    %cond3A_36 = arith.constant 0 : i32
    %cond3A_37 = arith.cmpi ne, %convert_element_type3A_35, %cond3A_36 : i32
    scf.if %cond3A_37 {
      %parallel_loop3A_44 = arith.constant 6240 : i32
      %parallel_loop3A_45 = arith.constant 6400 : i32
      %parallel_loop3A_46 = arith.constant 16 : i32
      scf.for %parallel_loop3A_63 = %parallel_loop3A_44 to %parallel_loop3A_45 step %parallel_loop3A_46  : i32 {
        %parallel_loop3A_64 = arith.index_cast %parallel_loop3A_63 : i32 to index
        %parallel_loop3A_65 = tpu.vector_load %arg6[%parallel_loop3A_64] {strides = array<i32>} : memref<6400xf32, #tpu.memory_space<vmem>>, vector<16xf32>,
        %parallel_loop3A_66 = arith.index_cast %parallel_loop3A_63 : i32 to index
        %parallel_loop3A_67 = tpu.vector_load %arg7[%parallel_loop3A_66] {strides = array<i32>} : memref<6400xi32, #tpu.memory_space<vmem>>, vector<16xi32>,
        %parallel_loop3A_68 = tpu.vector_load_idx %arg9[%parallel_loop3A_67] : memref<94xf32, #tpu.memory_space<vmem>>[vector<16xi32>], vector<16xf32>,
        %parallel_loop3A_69 = arith.constant 9.99999997E-7 : f32
        %parallel_loop3A_70 = vector.broadcast %parallel_loop3A_69 : f32 to vector<16xf32>
        %parallel_loop3A_71 = arith.addf %parallel_loop3A_65, %parallel_loop3A_70 : vector<16xf32>
        %parallel_loop3A_72 = vector.bitcast %parallel_loop3A_71 : vector<16xf32> to vector<16xi32>
        %parallel_loop3A_73 = arith.constant 1 : i32
        %parallel_loop3A_74 = vector.broadcast %parallel_loop3A_73 : i32 to vector<16xi32>
        %parallel_loop3A_75 = arith.shrui %parallel_loop3A_72, %parallel_loop3A_74 : vector<16xi32>
        %parallel_loop3A_76 = arith.constant 1597463007 : i32
        %parallel_loop3A_77 = vector.broadcast %parallel_loop3A_76 : i32 to vector<16xi32>
        %parallel_loop3A_78 = arith.subi %parallel_loop3A_77, %parallel_loop3A_75 : vector<16xi32>
        %parallel_loop3A_79 = vector.bitcast %parallel_loop3A_78 : vector<16xi32> to vector<16xf32>
        %parallel_loop3A_80 = arith.constant 5.000000e-01 : f32
        %parallel_loop3A_81 = vector.broadcast %parallel_loop3A_80 : f32 to vector<16xf32>
        %parallel_loop3A_82 = arith.mulf %parallel_loop3A_81, %parallel_loop3A_71 : vector<16xf32>
        %parallel_loop3A_83 = arith.mulf %parallel_loop3A_82, %parallel_loop3A_79 : vector<16xf32>
        %parallel_loop3A_84 = arith.mulf %parallel_loop3A_83, %parallel_loop3A_79 : vector<16xf32>
        %parallel_loop3A_85 = arith.constant 1.500000e+00 : f32
        %parallel_loop3A_86 = vector.broadcast %parallel_loop3A_85 : f32 to vector<16xf32>
        %parallel_loop3A_87 = arith.subf %parallel_loop3A_86, %parallel_loop3A_84 : vector<16xf32>
        %parallel_loop3A_88 = arith.mulf %parallel_loop3A_79, %parallel_loop3A_87 : vector<16xf32>
        %parallel_loop3A_89 = arith.mulf %parallel_loop3A_82, %parallel_loop3A_88 : vector<16xf32>
        %parallel_loop3A_90 = arith.mulf %parallel_loop3A_89, %parallel_loop3A_88 : vector<16xf32>
        %parallel_loop3A_91 = arith.constant 1.500000e+00 : f32
        %parallel_loop3A_92 = vector.broadcast %parallel_loop3A_91 : f32 to vector<16xf32>
        %parallel_loop3A_93 = arith.subf %parallel_loop3A_92, %parallel_loop3A_90 : vector<16xf32>
        %parallel_loop3A_94 = arith.mulf %parallel_loop3A_88, %parallel_loop3A_93 : vector<16xf32>
        %parallel_loop3A_95 = arith.mulf %parallel_loop3A_71, %parallel_loop3A_94 : vector<16xf32>
        %parallel_loop3A_96 = arith.mulf %parallel_loop3A_68, %parallel_loop3A_95 : vector<16xf32>
        %parallel_loop3A_97 = arith.constant 1.000000e+00 : f32
        %parallel_loop3A_98 = vector.broadcast %parallel_loop3A_97 : f32 to vector<16xf32>
        %parallel_loop3A_99 = arith.addf %parallel_loop3A_98, %parallel_loop3A_96 : vector<16xf32>
        %parallel_loop3A_100 = arith.index_cast %parallel_loop3A_63 : i32 to index
        %parallel_loop3A_101 = tpu.vector_load %arg8[%parallel_loop3A_100] {strides = array<i32>} : memref<6400xf32, #tpu.memory_space<vmem>>, vector<16xf32>,
        tpu.vector_store %arg8[%parallel_loop3A_100], %parallel_loop3A_99 {strides = array<i32>} : memref<6400xf32, #tpu.memory_space<vmem>>, vector<16xf32>,
      } {sc.loop_unroll_factor = 2 : i64, sc.parallel_access}
      %dma_start3A_47 = arith.constant 6240 : i32
      %dma_start3A_48 = tpu.memref_slice %arg8[%dma_start3A_47] : memref<6400xf32, #tpu.memory_space<vmem>> -> memref<160xf32, #tpu.memory_space<vmem>>
      %dma_start3A_49 = arith.constant 99840 : i32
      %dma_start3A_50 = tpu.memref_slice %arg5[%dma_start3A_49] : memref<100000xf32, #tpu.memory_space<hbm>> -> memref<160xf32, #tpu.memory_space<hbm>>
      %dma_start3A_51 = arith.constant 99840 : i32
      %dma_start3A_52 = tpu.memref_slice %arg5[%dma_start3A_51] : memref<100000xf32, #tpu.memory_space<hbm>> -> memref<160xf32, #tpu.memory_space<hbm>>
      %dma_start3A_53 = arith.constant 6240 : i32
      %dma_start3A_54 = tpu.memref_slice %arg8[%dma_start3A_53] : memref<6400xf32, #tpu.memory_space<vmem>> -> memref<160xf32, #tpu.memory_space<vmem>>
      tpu.enqueue_dma source(%dma_start3A_54 : memref<160xf32, #tpu.memory_space<vmem>>) target(%dma_start3A_52 : memref<160xf32, #tpu.memory_space<hbm>>) target_semaphore(%arg10 : memref<!tpu.dma_semaphore, #tpu.memory_space<semaphore_mem>>)
      %dma_wait3A_55 = arith.constant 6240 : i32
      %dma_wait3A_56 = tpu.memref_slice %arg8[%dma_wait3A_55] : memref<6400xf32, #tpu.memory_space<vmem>> -> memref<160xf32, #tpu.memory_space<vmem>>
      %dma_wait3A_57 = arith.constant 99840 : i32
      %dma_wait3A_58 = tpu.memref_slice %arg5[%dma_wait3A_57] : memref<100000xf32, #tpu.memory_space<hbm>> -> memref<160xf32, #tpu.memory_space<hbm>>
      %dma_wait3A_59 = arith.constant 99840 : i32
      %dma_wait3A_60 = tpu.memref_slice %arg5[%dma_wait3A_59] : memref<100000xf32, #tpu.memory_space<hbm>> -> memref<160xf32, #tpu.memory_space<hbm>>
      %dma_wait3A_61 = arith.constant 6240 : i32
      %dma_wait3A_62 = tpu.memref_slice %arg8[%dma_wait3A_61] : memref<6400xf32, #tpu.memory_space<vmem>> -> memref<160xf32, #tpu.memory_space<vmem>>
      tpu.wait_dma2 semaphore(%arg10 : memref<!tpu.dma_semaphore, #tpu.memory_space<semaphore_mem>>) src(%dma_wait3A_62 : memref<160xf32, #tpu.memory_space<vmem>>) dst(%dma_wait3A_60 : memref<160xf32, #tpu.memory_space<hbm>>)
    } else {
    }
    %dma_wait3A_38 = arith.constant 0 : i32
    %dma_wait3A_39 = tpu.memref_slice %arg8[%dma_wait3A_38] : memref<6400xf32, #tpu.memory_space<vmem>> -> memref<6240xf32, #tpu.memory_space<vmem>>
    %dma_wait3A_40 = tpu.memref_slice %arg5[%mul3A_2] : memref<100000xf32, #tpu.memory_space<hbm>> -> memref<6240xf32, #tpu.memory_space<hbm>>
    %dma_wait3A_41 = tpu.memref_slice %arg5[%mul3A_2] : memref<100000xf32, #tpu.memory_space<hbm>> -> memref<6240xf32, #tpu.memory_space<hbm>>
    %dma_wait3A_42 = arith.constant 0 : i32
    %dma_wait3A_43 = tpu.memref_slice %arg8[%dma_wait3A_42] : memref<6400xf32, #tpu.memory_space<vmem>> -> memref<6240xf32, #tpu.memory_space<vmem>>
    tpu.wait_dma2 semaphore(%arg10 : memref<!tpu.dma_semaphore, #tpu.memory_space<semaphore_mem>>) src(%dma_wait3A_43 : memref<6240xf32, #tpu.memory_space<vmem>>) dst(%dma_wait3A_41 : memref<6240xf32, #tpu.memory_space<hbm>>)
    return
  }
}

</mosaic_0001>

<sc_bundles>
// kernel: _cnshift_sc.3.cloned.1.call-start
scs
__scs_entry_jumppad:
0x0: {  	(pc) =	sbr.rel $0x88, $3  }
0x1: {  	(tag) =	ssettag $0x0;
	lr =	simm.s32 $0x1  }
0x2: {  	[smem:$0x3F9E] =	sst lr;
	_ =	strace $0xD0000000  }
0x3: {  	_ = 	snop  }
0x4: {  	_ = 	snop  }
0x5: {  	_ = 	snop  }
0x6: {  	_ = 	snop  }
0x7: {  	_ = 	snop  }
__scs_overlays_trampoline_lowered:
0x8: {  	[smem:$0x3FAD] =	sst s0  }
0x9: {  	[smem:$0x3FAE] =	sst s1  }
0xa: {  	[smem:$0x3FAF] =	sst s2  }
0xb: {  	[smem:$0x3FB0] =	sst s3  }
0xc: {  	[smem:$0x3FB1] =	sst s4  }
0xd: {  	[smem:$0x3FB2] =	sst s5  }
0xe: {  	[smem:$0x3FB3] =	sst s6  }
0xf: {  	[smem:$0x3FB4] =	sst s7  }
0x10: {  	[smem:$0x3FB5] =	sst s8  }
0x11: {  	[smem:$0x3FB6] =	sst s9;
	s0 =	simm.s32 @!p0 $0x0  }
0x12: {  	s1 =	sld [smem:$0x3F9C];
	s0 =	simm.s32 @p0 $0x1  }
0x13: {  	[smem:$0x3FB7] =	sst s0;
	s0 =	simm.s32 @!p1 $0x0  }
0x14: {  	s2 =	sld [smem:$0x3F9B];
	s0 =	simm.s32 @p1 $0x1  }
0x15: {  	[smem:$0x3FB8] =	sst s0;
	s0 =	simm.s32 @!p2 $0x0  }
0x16: {  	s3 =	sld [smem:$0x3FDB];
	s0 =	simm.s32 @p2 $0x1  }
0x17: {  	s4 =	simm.s32 $0x1BF5;
	[smem:$0x3FBA] =	sst s0  }
0x18: {  	s0 =	sld [smem:$0x3F9D];
	_ =	swait.ge [sflag:s4], $0x0  }
0x19: {  	s7 =	sld [smem:$0x3F9E]  }
0x1a: {  	s8 =	sadd.s32 $0xFFFFE003, lr  }
0x1b: {  	s9 =	sadd.s32 $0xFFFFFEF7, lr;
	s5 =	simm.s32 $0xFFFFFFFF;
	p2 =	slt.u32 s8, $0xFFFFF086  }
0x1c: {  	p1 =	slt.u32 s9, $0xF7A;
	s5 =	simm.s32 @!p2 $0x0  }
0x1d: {  	s5 =	simm.s32 @p1 $0x1;
	p0 =	seq.s32 s7, s2  }
0x1e: {  	s7 =	smul.u32 @!p0 $0xF7A, s2;
	p2 =	seq.s32 @!p0 s5, $0x0  }
0x1f: {  	s9 =	smul.u32 $0xF7A, s1;
	s8 =	simm.s32 @!p0 $0x1BF5;
	p2 =	por !p2, p0  }
0x20: {  	[sflag:s8] =	ssyncset.s32 @!p0 $0xFFFFF086;
	s6 =	sadd.s32 @!p0 s3, s7;
	s7 =	simm.s32 @!p0 $0x108  }
0x21: {  	s3 =	sadd.s32 s3, s9;
	s6 =	sadd.s32 @!p0 $0x88, s6;
	s7 =	simm.s32 @p2 $0x1082  }
0x22: {  	[simem:s7], [sflag:s8] =	dma.local @!p0 [hbm:s6], $0xF7A  }
0x23: {  	s9 =	sor.u32 $0xD0000000, s2;
	s6 =	simm.s32 $0x108;
	_ =	swait.ge @!p0 [sflag:s8], $0x0  }
0x24: {  	s3 =	sadd.s32 $0x88, s3;
	s6 =	simm.s32 @!p1 $0x1082;
	[sflag:s4] =	ssyncset.s32 $0xFFFFF086  }
0x25: {  	[simem:s6], [sflag:s4] =	dma.local [hbm:s3], $0xF7A  }
0x26: {  	[smem:$0x3F9E] =	sst s1;
	(tag) =	ssettag s2;
	_ =	strace s9  }
0x27: {  	s1 =	sld [smem:$0x3FAE]  }
0x28: {  	s2 =	sld [smem:$0x3FAF]  }
0x29: {  	s4 =	sld [smem:$0x3FB1]  }
0x2a: {  	p0 =	seq.s32 s5, $0x0;
	s5 =	sld [smem:$0x3FB2]  }
0x2b: {  	s6 =	sld [smem:$0x3FB3]  }
0x2c: {  	s7 =	sld [smem:$0x3FB4]  }
0x2d: {  	s3 =	simm.s32 $0x108;
	s8 =	sld [smem:$0x3FB5]  }
0x2e: {  	s3 =	simm.s32 @!p0 $0x1082;
	s9 =	sld [smem:$0x3FB6]  }
0x2f: {  	lr =	sadd.s32 s0, s3;
	s0 =	sld [smem:$0x3FAD]  }
0x30: {  	s3 =	sld [smem:$0x3FB0]  }
0x31: {  	[smem:$0x3FB9] =	sst s10  }
0x32: {  	s10 =	sld [smem:$0x3FB7];
	_ =	sdelay $0x3  }
0x33: {  	p0 =	seq.s32 s10, $0x1;
	s10 =	sld [smem:$0x3FB9];
	_ =	sdelay $0x3  }
0x34: {  	[smem:$0x3FB9] =	sst s10  }
0x35: {  	s10 =	sld [smem:$0x3FB8];
	_ =	sdelay $0x3  }
0x36: {  	p1 =	seq.s32 s10, $0x1;
	s10 =	sld [smem:$0x3FB9];
	_ =	sdelay $0x3  }
0x37: {  	[smem:$0x3FB9] =	sst s10  }
0x38: {  	s10 =	sld [smem:$0x3FBA]  }
0x39: {  	_ = 	snop;
	(pc) =	sbr.ind lr, $3  }
0x3a: {  	_ = 	snop  }
0x3b: {  	_ = 	snop  }
0x3c: {  	p2 =	seq.s32 s10, $0x1;
	s10 =	sld [smem:$0x3FB9]  }
0x3d: {  	_ =	shalt  }
0x3e: {  	_ =	shalt  }
0x3f: {  	_ =	shalt  }
0x40: {  	_ =	shalt  }
0x41: {  	_ =	shalt  }
0x42: {  	_ =	shalt  }
0x43: {  	_ =	shalt  }
0x44: {  	_ =	shalt  }
0x45: {  	_ =	shalt  }
0x46: {  	_ =	shalt  }
0x47: {  	_ =	shalt  }
0x48: {  	_ =	shalt  }
0x49: {  	_ =	shalt  }
0x4a: {  	_ =	shalt  }
0x4b: {  	_ =	shalt  }
0x4c: {  	_ =	shalt  }
0x4d: {  	_ =	shalt  }
0x4e: {  	_ =	shalt  }
0x4f: {  	_ =	shalt  }
0x50: {  	_ =	shalt  }
0x51: {  	_ =	shalt  }
0x52: {  	_ =	shalt  }
0x53: {  	_ =	shalt  }
0x54: {  	_ =	shalt  }
0x55: {  	_ =	shalt  }
0x56: {  	_ =	shalt  }
0x57: {  	_ =	shalt  }
0x58: {  	_ =	shalt  }
0x59: {  	_ =	shalt  }
0x5a: {  	_ =	shalt  }
0x5b: {  	_ =	shalt  }
0x5c: {  	_ =	shalt  }
0x5d: {  	_ =	shalt  }
0x5e: {  	_ =	shalt  }
0x5f: {  	_ =	shalt  }
0x60: {  	_ =	shalt  }
0x61: {  	_ =	shalt  }
0x62: {  	_ =	shalt  }
0x63: {  	_ =	shalt  }
0x64: {  	_ =	shalt  }
0x65: {  	_ =	shalt  }
0x66: {  	_ =	shalt  }
0x67: {  	_ =	shalt  }
0x68: {  	_ =	shalt  }
0x69: {  	_ =	shalt  }
0x6a: {  	_ =	shalt  }
0x6b: {  	_ =	shalt  }
0x6c: {  	_ =	shalt  }
0x6d: {  	_ =	shalt  }
0x6e: {  	_ =	shalt  }
0x6f: {  	_ =	shalt  }
0x70: {  	_ =	shalt  }
0x71: {  	_ =	shalt  }
0x72: {  	_ =	shalt  }
0x73: {  	_ =	shalt  }
0x74: {  	_ =	shalt  }
0x75: {  	_ =	shalt  }
0x76: {  	_ =	shalt  }
0x77: {  	_ =	shalt  }
0x78: {  	_ =	shalt  }
0x79: {  	_ =	shalt  }
0x7a: {  	_ =	shalt  }
0x7b: {  	_ =	shalt  }
0x7c: {  	_ =	shalt  }
0x7d: {  	_ =	shalt  }
0x7e: {  	_ =	shalt  }
0x7f: {  	_ =	shalt  }
0x80: {  	_ =	shalt  }
0x81: {  	_ =	shalt  }
0x82: {  	_ =	shalt  }
0x83: {  	_ =	shalt  }
0x84: {  	_ =	shalt  }
0x85: {  	_ =	shalt  }
0x86: {  	_ =	shalt  }
0x87: {  	_ =	shalt  }
.Lfunc_end0:
.L_simem_size_0:
called_computation_lowered:
.L_overlay_start_0:
0x88: {  	s0 =	sld [smem:$0x3FD9]  }
0x89: {  	s1 =	sld [smem:$0x3FFE];
	_ =	sdelay $0x3  }
0x8a: {  	s0 =	sadd.s32 s1, s0  }
0x8b: {  	[smem:$0x3FC5] =	sst s0  }
0x8c: {  	_ = 	snop  }
0x8d: {  	s0 =	sld [smem:$0x3FC9]  }
0x8e: {  	s17 =	sld [smem:$0x3FC8]  }
0x8f: {  	s2 =	sld [smem:$0x3FC7]  }
0x90: {  	s3 =	sld [smem:$0x3FD0];
	(tm) =	ssettm $0x1  }
0x91: {  	s4 =	sld [smem:$0x3FFB];
	_ =	sdelay $0x3  }
0x92: {  	_ =	strace s4  }
0x93: {  	s4 =	sld [smem:$0x3FFC];
	_ =	sdelay $0x3  }
0x94: {  	_ =	strace s4  }
0x95: {  	s4 =	sld [smem:$0x3FFD];
	_ =	sdelay $0x3  }
0x96: {  	_ =	strace s4  }
0x97: {  	_ =	strace $0x8FFFFFFF  }
0x98: {  	s18 =	sld [smem:$0x3FDB];
	_ =	sdelay $0x1  }
0x99: {  	s5 =	simm.s32 $_scs_section_size  }
0x9a: {  	s6 =	simm.s32 $_size__tile_overlayer_lowered;
	s7 =	simm.s32 $_tile_overlayer_lowered  }
0x9b: {  	s21 =	simm.s32 $0x1BFF;
	s20 =	sshll.u32 s7, $0x1;
	s4 =	sadd.s32 s5, s18  }
0x9c: {  	s8 =	simm.s32 $0x0;
	s19 =	sshll.u32 s6, $0x1;
	s6 =	sadd.s32 s20, s4  }
0x9d: {  	[timem:s8], [sflag:s21] =	dma.local [hbm:s6], s19  }
0x9e: {  	_ =	swait.ge [sflag:s21], s19  }
0x9f: {  	s5 =	ssub.s32 $0x0, s19;
	[sflag:s21] =	ssyncset.done $0x0  }
0xa0: {  	[sflag:s21] =	ssyncadd.s32 s5;
	_ =	sdelay $0x1  }
0xa1: {  	s22 =	simm.s32 $0x1B8B  }
0xa2: {  	_ =	swait.ge [sflag:s22], $0x1  }
0xa3: {  	[sflag:s22] =	ssyncset.done $0x0  }
0xa4: {  	s23 =	simm.s32 $0x1B8E;
	[sflag:s22] =	ssyncadd.s32 $0xFFFFFFFF  }
0xa5: {  	s24 =	simm.s32 $execute0_lowered;
	[smem:$0x3FD2] =	sst s23  }
0xa6: {  	s5 =	sshll.u32 s24, $0x1;
	_ =	strace $0x80000046;
	[dreg:$0x1] =	wrdreg $0xFFFFFFFF  }
0xa7: {  	s25 =	simm.s32 $_size_execute0_lowered;
	s4 =	sadd.s32 s4, s5;
	[dreg:$0x0] =	wrdreg $0x0  }
0xa8: {  	s5 =	sshll.u32 s25, $0x1;
	[dreg:$0x2] =	wrdreg s4  }
0xa9: {  	[dreg:$0x3] =	wrdreg s5  }
0xaa: {  	[dreg:$0x4] =	wrdreg $0xC0  }
0xab: {  	_ =	task [dreg:s8], $0x5FFFF  }
0xac: {  	[dreg:$0x1] =	wrdreg $0xFFFFFFFF  }
0xad: {  	[dreg:$0x0] =	wrdreg $0x60  }
0xae: {  	[dreg:$0x2] =	wrdreg s0  }
0xaf: {  	[dreg:$0x3] =	wrdreg s17  }
0xb0: {  	[dreg:$0x4] =	wrdreg s2  }
0xb1: {  	[dreg:$0x5] =	wrdreg s3  }
0xb2: {  	[dreg:$0x6] =	wrdreg $0x9  }
0xb3: {  	_ =	task.clear_ibuf [dreg:s8], $0x7FFFF;
	_ =	strace $0x90000046  }
0xb4: {  	s26 =	simm.s32 $0x9;
	_ =	strace $0x80000048  }
0xb5: {  	_ =	swait.ge [sflag:s26], $0x1  }
0xb6: {  	[sflag:s26] =	ssyncadd.s32 $0xFFFFFFFF  }
0xb7: {  	_ =	strace $0x90000048  }
0xb8: {  	_ =	sfence  }
0xb9: {  	s28 =	sld [smem:$0x0];
	_ =	sdelay $0x1  }
0xba: {  	s29 =	srdreg.scid  }
0xbb: {  	s30 =	sshll.u32 s29, $0xD;
	s31 =	sshrl.u32 s29, $0x2  }
0xbc: {  	s1 =	sand.u32 $0x1, s29;
	s2 =	sand.u32 $0x4000, s30;
	s0 =	sadd.s32 s31, s28  }
0xbd: {  	s1 =	sor.u32 s2, s1;
	s0 =	sshll.u32 s0, $0x11  }
0xbe: {  	s0 =	sor.u32 s0, s1  }
0xbf: {  	s0 =	sadd.s32 $0x8F2B, s0  }
0xc0: {  	[sflag:s0] =	ssyncadd.remote.s32 $0x1  }
0xc1: {  	_ =	sfence.sel $0xFFFF  }
0xc2: {  	[dreg:$0x0] =	wrdreg $0xFFFFFFFF;
	(pc) =	sbr.abs _section_cstart, $3  }
0xc3: {  	[dreg:$0x1] =	wrdreg $0xFFFFFFFF  }
0xc4: {  	_ =	task.clear_ibuf [dreg:s8], $0x2FFFF;
	_ =	strace $0x9FFFFFFF  }
0xc5: {  	(tm) =	ssettm $0x7FFFFFFF  }
tec
execute0_lowered:
.L_overlay_start_1:
0x0: {  	(tag) =	ssettag $0x1  }
0x1: {  	s5 =	rddreg [dreg:$0x0]  }
0x2: {  	s6 =	rddreg [dreg:$0x1]  }
0x3: {  	s7 =	rddreg [dreg:$0x2]  }
0x4: {  	s2 =	rddreg [dreg:$0x3]  }
0x5: {  	s0 =	rddreg [dreg:$0x4];
	s8 =	simm.s32 $0x0  }
0x6: {  	s1 =	stileid.u32;
	[smem:$0x7FF] =	sst s8  }
0x7: {  	s3 =	simm.s32 $0x4B00;
	s4 =	smul.u32 $0x30C, s1;
	_ =	strace $0x80000047  }
0x8: {  	[tilespmem:s3], [sflag:$0x1] =	stream.linear.gather [hbm4b:s7+s8], $0x60, $0x38;
	[tilespmem:$0x4B60] =	vst v63  }
0x9: {  	s25 =	sadd.s32 s5, s4  }
0xa: {  	[tilespmem:s8], [sflag:$0x1] =	stream.linear.gather [hbm4b:s25+s8], $0x1860, $0x38;
	[tilespmem:$0x4B60] =	vst v63  }
0xb: {  	s9 =	simm.s32 $0x1900;
	p0 =	sne.s32 s1, $0xF;
	s26 =	sadd.s32 s6, s4  }
0xc: {  	[tilespmem:s9], [sflag:$0x1] =	stream.linear.gather [hbm4b:s26+s8], $0x1860, $0x38;
	[tilespmem:$0x4B60] =	vst v63  }
0xd: {  	s5 =	sadd.s32 @!p0 $0x30C0, s5;
	s7 =	simm.s32 @!p0 $0x0;
	s8 =	simm.s32 @!p0 $0x1860  }
0xe: {  	[tilespmem:s8], [sflag:$0x1] =	stream.linear.gather @!p0 [hbm4b:s5+s7], $0xA0, $0x38;
	[tilespmem:$0x4B60] =	vst v63  }
0xf: {  	s5 =	sadd.s32 @!p0 $0x30C0, s6;
	s6 =	simm.s32 @!p0 $0x3160  }
0x10: {  	[tilespmem:s6], [sflag:$0x1] =	stream.linear.gather @!p0 [hbm4b:s5+s7], $0xA0, $0x38;
	[tilespmem:$0x4B60] =	vst v63  }
0x11: {  	s5 =	simm.s32 @!p0 $0x1  }
0x12: {  	_ =	swait.ge @!p0 [sflag:s5], $0xA0  }
0x13: {  	[sflag:s5] =	ssyncset.done @!p0 $0x0  }
0x14: {  	[sflag:s5] =	ssyncadd.s32 @!p0 $0xFFFFFF60  }
0x15: {  	_ =	swait.ge @!p0 [sflag:s5], $0xA0  }
0x16: {  	[sflag:s5] =	ssyncset.done @!p0 $0x0  }
0x17: {  	s28 =	simm.s32 $0x1;
	[sflag:s5] =	ssyncadd.s32 @!p0 $0xFFFFFF60  }
0x18: {  	_ =	swait.ge [sflag:s28], $0x60  }
0x19: {  	[sflag:s28] =	ssyncset.done $0x0  }
0x1a: {  	[sflag:s28] =	ssyncadd.s32 $0xFFFFFFA0  }
0x1b: {  	_ =	swait.ge [sflag:s28], $0x1860  }
0x1c: {  	[sflag:s28] =	ssyncset.done $0x0  }
0x1d: {  	[sflag:s28] =	ssyncadd.s32 $0xFFFFE7A0  }
0x1e: {  	_ =	swait.ge [sflag:s28], $0x1860  }
0x1f: {  	[sflag:s28] =	ssyncset.done $0x0  }
0x20: {  	s29 =	simm.s32 $0x40;
	[sflag:s28] =	ssyncadd.s32 $0xFFFFE7A0  }
0x21: {  	v0 =	vld [tilespmem:s29+$0x20]  }
0x22: {  	v1 =	vld [tilespmem:s29+$0xFFFFFFC0]  }
0x23: {  	v3 =	vld [tilespmem:s29+$0x30]  }
0x24: {  	v5 =	vld [tilespmem:s29+$0xFFFFFFE0]  }
0x25: {  	v7 =	vld [tilespmem:s29+$0x0]  }
0x26: {  	v9 =	vld [tilespmem:s29+$0x10];
	v4 =	vadd.f32 $9.999999970e-07, v0  }
0x27: {  	v10 =	vld [tilespmem:s29+$0xFFFFFFF0]  }
0x28: {  	v0 =	vshrl.u32 v4, $0x1;
	v6 =	vmul.f32 $5.000000000e-01, v4  }
0x29: {  	v8 =	vsub.s32 $0x5F3759DF, v0  }
0x2a: {  	v14 =	vadd.f32 $9.999999970e-07, v3;
	v0 =	vadd.f32 $9.999999970e-07, v1;
	v1 =	vmul.f32 v8, v6  }
0x2b: {  	v3 =	vadd.f32 $9.999999970e-07, v5;
	v7 =	vadd.f32 $9.999999970e-07, v7  }
0x2c: {  	v25 =	vadd.f32 $9.999999970e-07, v9;
	v24 =	vadd.f32 $9.999999970e-07, v10;
	v5 =	vmul.f32 v8, v1  }
0x2d: {  	v2 =	vld [tilespmem:s29+$0xFFFFFFD0];
	v12 =	vshrl.u32 v3, $0x1;
	v17 =	vmul.f32 $5.000000000e-01, v3;
	v13 =	vshrl.u32 v7, $0x1  }
0x2e: {  	v15 =	vmul.f32 $5.000000000e-01, v7;
	v18 =	vmul.f32 $5.000000000e-01, v14;
	v5 =	vsub.f32 $1.500000000e+00, v5  }
0x2f: {  	s30 =	simm.s32 $0x1940;
	v19 =	vmul.f32 $5.000000000e-01, v25;
	v21 =	vshrl.u32 v24, $0x1;
	v22 =	vmul.f32 $5.000000000e-01, v24  }
0x30: {  	v9 =	vld [tilespmem:s30+$0x20];
	v13 =	vsub.s32 $0x5F3759DF, v13;
	v20 =	vsub.s32 $0x5F3759DF, v12;
	v8 =	vmul.f32 v8, v5  }
0x31: {  	v28 =	vmul.f32 v20, v17;
	v11 =	vshrl.u32 v0, $0x1;
	v5 =	vmul.f32 v13, v15  }
0x32: {  	v16 =	vmul.f32 $5.000000000e-01, v0;
	v1 =	vadd.f32 $9.999999970e-07, v2;
	v6 =	vmul.f32 v8, v6  }
0x33: {  	v2 =	vshrl.u32 v14, $0x1;
	v30 =	vsub.s32 $0x5F3759DF, v11;
	v5 =	vmul.f32 v13, v5  }
0x34: {  	v2 =	vsub.s32 $0x5F3759DF, v2;
	v31 =	vmul.f32 v30, v16;
	v6 =	vmul.f32 v6, v8  }
0x35: {  	s31 =	simm.s32 $0xC0;
	v12 =	vld [tilespmem:s30+$0x0];
	v26 =	vshrl.u32 v1, $0x1;
	v23 =	vsub.f32 $1.500000000e+00, v5;
	v5 =	vmul.f32 $5.000000000e-01, v1  }
0x36: {  	v11 =	vld [tilespmem:s31+$0x20];
	v10 =	vmul.f32 v2, v18;
	v26 =	vsub.s32 $0x5F3759DF, v26;
	v6 =	vsub.f32 $1.500000000e+00, v6  }
0x37: {  	v27 =	vshrl.u32 v25, $0x1;
	v13 =	vmul.f32 v13, v23;
	v23 =	vmul.f32 v26, v5  }
0x38: {  	v21 =	vsub.s32 $0x5F3759DF, v21;
	v9 =	vld.idx.msk [tilespmem:v9+s3+$0x0], $0xffff;
	v10 =	vmul.f32 v2, v10;
	v6 =	vmul.f32 v6, v8  }
0x39: {  	v27 =	vsub.s32 $0x5F3759DF, v27;
	v23 =	vmul.f32 v26, v23;
	v15 =	vmul.f32 v13, v15  }
0x3a: {  	v4 =	vmul.f32 v6, v4;
	v6 =	vsub.f32 $1.500000000e+00, v10;
	v10 =	vmul.f32 v27, v19  }
0x3b: {  	v31 =	vmul.f32 v30, v31;
	v32 =	vadd.f32 $9.999999970e-07, v11;
	v15 =	vmul.f32 v15, v13  }
0x3c: {  	v23 =	vsub.f32 $1.500000000e+00, v23;
	v29 =	vmul.f32 v2, v6;
	v2 =	vmul.f32 v27, v10  }
0x3d: {  	v12 =	vld.idx.msk [tilespmem:v12+s3+$0x0], $0xffff;
	v8 =	vmul.f32 v21, v22;
	v4 =	vmul.f32 v4, v9;
	v9 =	vsub.f32 $1.500000000e+00, v15  }
0x3e: {  	v6 =	vld [tilespmem:s31+$0xFFFFFFC0];
	v10 =	vmul.f32 v26, v23;
	v15 =	vmul.f32 v29, v18;
	v2 =	vsub.f32 $1.500000000e+00, v2  }
0x3f: {  	v31 =	vsub.f32 $1.500000000e+00, v31;
	v23 =	vld [tilespmem:s31+$0xFFFFFFD0];
	v9 =	vmul.f32 v9, v13;
	v13 =	vmul.f32 v20, v28  }
0x40: {  	v26 =	vadd.f32 $1.000000000e+00, v4;
	v4 =	vmul.f32 v21, v8;
	v27 =	vmul.f32 v27, v2  }
0x41: {  	v11 =	vshrl.u32 v32, $0x1;
	v18 =	vld [tilespmem:s31+$0x30];
	v8 =	vsub.f32 $1.500000000e+00, v13;
	v7 =	vmul.f32 v9, v7  }
0x42: {  	v15 =	vmul.f32 v15, v29;
	v13 =	vsub.f32 $1.500000000e+00, v4;
	v4 =	vmul.f32 v27, v19  }
0x43: {  	v35 =	vmul.f32 $5.000000000e-01, v32;
	v9 =	vld [tilespmem:s31+$0xFFFFFFE0];
	v2 =	vadd.f32 $9.999999970e-07, v6;
	v28 =	vmul.f32 v7, v12  }
0x44: {  	v15 =	vsub.f32 $1.500000000e+00, v15;
	v33 =	vmul.f32 v4, v27;
	v4 =	vadd.f32 $9.999999970e-07, v23;
	v23 =	vld [tilespmem:s30+$0x30]  }
0x45: {  	v37 =	vld [tilespmem:s31+$0x0];
	v36 =	vmul.f32 v21, v13;
	v21 =	vsub.s32 $0x5F3759DF, v11;
	v39 =	vmul.f32 v20, v8  }
0x46: {  	v6 =	vadd.f32 $9.999999970e-07, v18;
	v38 =	vmul.f32 v21, v35;
	v29 =	vmul.f32 v15, v29  }
0x47: {  	v7 =	vld [tilespmem:s31+$0x10];
	v42 =	vmul.f32 v39, v17;
	v22 =	vmul.f32 v36, v22;
	v55 =	vadd.f32 $1.000000000e+00, v28  }
0x48: {  	v19 =	vld [tilespmem:s31+$0xFFFFFFF0];
	v18 =	vshrl.u32 v6, $0x1;
	v13 =	vadd.f32 $9.999999970e-07, v9;
	v38 =	vmul.f32 v21, v38  }
0x49: {  	v9 =	vmul.f32 $5.000000000e-01, v2;
	v20 =	vmul.f32 $5.000000000e-01, v6;
	v40 =	vsub.s32 $0x5F3759DF, v18  }
0x4a: {  	v18 =	vadd.f32 $9.999999970e-07, v37;
	v14 =	vmul.f32 v29, v14;
	v38 =	vsub.f32 $1.500000000e+00, v38  }
0x4b: {  	v33 =	vsub.f32 $1.500000000e+00, v33;
	v44 =	vmul.f32 v22, v36;
	v52 =	vmul.f32 v42, v39  }
0x4c: {  	s7 =	simm.s32 $0x19C0;
	v12 =	vmul.f32 $5.000000000e-01, v13;
	v8 =	vadd.f32 $9.999999970e-07, v7;
	v17 =	vld.idx.msk [tilespmem:v23+s3+$0x0], $0xffff;
	v23 =	vmul.f32 v21, v38  }
0x4d: {  	v41 =	vld [tilespmem:s7+$0x20];
	v7 =	vadd.f32 $9.999999970e-07, v19;
	v60 =	vmul.f32 v40, v20;
	v21 =	vshrl.u32 v18, $0x1  }
0x4e: {  	v29 =	vmul.f32 $5.000000000e-01, v18;
	v61 =	vsub.s32 $0x5F3759DF, v21;
	v21 =	vmul.f32 v23, v35  }
0x4f: {  	v48 =	vmul.f32 v33, v27;
	v28 =	vsub.f32 $1.500000000e+00, v44;
	v56 =	vsub.f32 $1.500000000e+00, v52  }
0x50: {  	v19 =	vshrl.u32 v8, $0x1;
	v15 =	vmul.f32 $5.000000000e-01, v8;
	v21 =	vmul.f32 v21, v23  }
0x51: {  	v45 =	vld [tilespmem:s30+$0x10];
	v37 =	vmul.f32 v40, v60;
	v19 =	vsub.s32 $0x5F3759DF, v19;
	v43 =	vmul.f32 v61, v29  }
0x52: {  	v60 =	vmul.f32 v28, v36;
	v36 =	vmul.f32 v56, v39;
	v46 =	vsub.f32 $1.500000000e+00, v21  }
0x53: {  	v11 =	vshrl.u32 v13, $0x1;
	v59 =	vmul.f32 v19, v15;
	v22 =	vmul.f32 v61, v43  }
0x54: {  	v62 =	vshrl.u32 v7, $0x1;
	v35 =	vld [tilespmem:s30+$0xFFFFFFF0];
	v63 =	vmul.f32 v14, v17;
	v23 =	vmul.f32 v46, v23  }
0x55: {  	v41 =	vld.idx.msk [tilespmem:v41+s3+$0x0], $0xffff;
	v14 =	vmul.f32 $5.000000000e-01, v7;
	v47 =	vsub.f32 $1.500000000e+00, v22;
	v21 =	vmul.f32 v30, v31  }
0x56: {  	v22 =	vmul.f32 $5.000000000e-01, v4;
	v31 =	vshrl.u32 v4, $0x1;
	v23 =	vmul.f32 v23, v32;
	v32 =	vld [tilespmem:s30+$0xFFFFFFE0]  }
0x57: {  	v17 =	vsub.s32 $0x5F3759DF, v62;
	v62 =	vmul.f32 v48, v25;
	v38 =	vsub.s32 $0x5F3759DF, v31  }
0x58: {  	v11 =	vsub.s32 $0x5F3759DF, v11;
	v28 =	vld [tilespmem:s7+$0x0];
	v27 =	vmul.f32 v17, v14;
	v54 =	vmul.f32 v38, v22  }
0x59: {  	v58 =	vld.idx.msk [tilespmem:v45+s3+$0x0], $0xffff;
	v34 =	vshrl.u32 v2, $0x1;
	v31 =	vmul.f32 v11, v12;
	v30 =	vmul.f32 v61, v47  }
0x5a: {  	v53 =	vadd.f32 $1.000000000e+00, v63;
	v33 =	vmul.f32 v21, v16;
	v43 =	vmul.f32 v38, v54  }
0x5b: {  	s5 =	simm.s32 $0x3240;
	v57 =	vmul.f32 v30, v29;
	v29 =	vsub.f32 $1.500000000e+00, v37;
	v23 =	vmul.f32 v23, v41  }
0x5c: {  	[tilespmem:s5+$0x20] =	vst v26;
	v16 =	vsub.s32 $0x5F3759DF, v34;
	v34 =	vmul.f32 v60, v24;
	v26 =	vld.idx.msk [tilespmem:v35+s3+$0x0], $0xffff;
	v61 =	vsub.f32 $1.500000000e+00, v43  }
0x5d: {  	s10 =	simm.s32 $0x32C0;
	[tilespmem:s5+$0x0] =	vst v55;
	v63 =	vmul.f32 v57, v30;
	v49 =	vadd.f32 $1.000000000e+00, v23;
	v23 =	vmul.f32 v40, v29;
	v29 =	vld [tilespmem:s30+$0xFFFFFFC0]  }
0x5e: {  	s11 =	simm.s32 $0x140;
	s4 =	sadd.s32 s2, s4;
	s2 =	sadd.s32 $0x30C0, s2;
	[tilespmem:s5+$0x30] =	vst v53;
	v24 =	vmul.f32 v16, v9;
	v37 =	vmul.f32 v62, v58;
	v35 =	vld.idx.msk [tilespmem:v32+s3+$0x0], $0xffff  }
0x5f: {  	s9 =	simm.s32 $0x80;
	s8 =	simm.s32 $0x19C0;
	s6 =	simm.s32 $0x32C0;
	v25 =	vmul.f32 v38, v61;
	v39 =	vsub.f32 $1.500000000e+00, v63;
	v38 =	vmul.f32 v19, v59;
	[tilespmem:s10+$0x20] =	vst v49;
	v32 =	vld [tilespmem:s30+$0xFFFFFFD0]  }
.LBB2_1:
0x60: {  	s9 =	sadd.s32 $0x80, s9;
	v28 =	vld.idx.msk [tilespmem:v28+s3+$0x0], $0xffff;
	v20 =	vmul.f32 v23, v20;
	s7 =	sadd.s32 $0x80, s7;
	s10 =	sadd.s32 $0x80, s10;
	v36 =	vmul.f32 v36, v3;
	v3 =	vmov v13  }
0x61: {  	v33 =	vmul.f32 v33, v21;
	v13 =	vld [tilespmem:s11+$0xFFFFFFC0];
	p1 =	slt.u32 s9, $0x1780;
	v30 =	vmul.f32 v39, v30;
	v38 =	vsub.f32 $1.500000000e+00, v38  }
0x62: {  	v31 =	vmul.f32 v11, v31;
	v40 =	vmul.f32 v10, v5;
	v5 =	vmovc v22;
	v37 =	vadd.f32 $1.000000000e+00, v37;
	v39 =	vld [tilespmem:s11+$0x20]  }
0x63: {  	v27 =	vmul.f32 v17, v27;
	v33 =	vsub.f32 $1.500000000e+00, v33;
	v26 =	vmul.f32 v34, v26;
	v22 =	vld [tilespmem:s11+$0xFFFFFFD0]  }
0x64: {  	v31 =	vsub.f32 $1.500000000e+00, v31;
	v18 =	vmul.f32 v30, v18;
	v30 =	vmul.f32 v36, v35;
	v34 =	vld [tilespmem:s11+$0x30];
	[tilespmem:s5+$0x10] =	vst v37  }
0x65: {  	v36 =	vmul.f32 v19, v38;
	v19 =	vmul.f32 v20, v23;
	v20 =	vadd.f32 $1.000000000e+00, v26;
	v35 =	vld [tilespmem:s11+$0xFFFFFFF0]  }
0x66: {  	v27 =	vsub.f32 $1.500000000e+00, v27;
	v28 =	vmul.f32 v18, v28;
	v18 =	vmul.f32 v40, v10;
	v37 =	vld [tilespmem:s11+$0x10]  }
0x67: {  	v15 =	vmul.f32 v36, v15;
	v30 =	vadd.f32 $1.000000000e+00, v30;
	v13 =	vadd.f32 $9.999999970e-07, v13;
	v38 =	vld [tilespmem:s11+$0xFFFFFFE0];
	[tilespmem:s5+$0xFFFFFFF0] =	vst v20  }
0x68: {  	v39 =	vadd.f32 $9.999999970e-07, v39;
	v20 =	vmul.f32 v33, v21;
	v18 =	vsub.f32 $1.500000000e+00, v18  }
0x69: {  	v33 =	vmul.f32 v15, v36;
	v26 =	vshrl.u32 v13, $0x1;
	v21 =	vadd.f32 $9.999999970e-07, v34;
	v15 =	vld.idx.msk [tilespmem:v32+s3+$0x0], $0xffff;
	[tilespmem:s5+$0xFFFFFFE0] =	vst v30  }
0x6a: {  	v22 =	vadd.f32 $9.999999970e-07, v22;
	v30 =	vmul.f32 v20, v0;
	v18 =	vmul.f32 v18, v10;
	v0 =	vmovc v2;
	v29 =	vld.idx.msk [tilespmem:v29+s3+$0x0], $0xffff  }
0x6b: {  	v20 =	vshrl.u32 v39, $0x1;
	v34 =	vmul.f32 v17, v27;
	v2 =	vmovc v13;
	v10 =	vmovc v25;
	v32 =	vshrl.u32 v21, $0x1  }
0x6c: {  	v25 =	vmul.f32 $5.000000000e-01, v2;
	v18 =	vmul.f32 v18, v1;
	v1 =	vmovc v4;
	v4 =	vmovc v22;
	v13 =	vadd.f32 $9.999999970e-07, v38;
	v17 =	vld [tilespmem:s8+$0x30]  }
0x6d: {  	v19 =	vsub.f32 $1.500000000e+00, v19;
	v27 =	vmul.f32 $5.000000000e-01, v39;
	v22 =	vsub.s32 $0x5F3759DF, v20  }
0x6e: {  	v40 =	vmul.f32 v11, v31;
	v20 =	vshrl.u32 v13, $0x1;
	v38 =	vmul.f32 $5.000000000e-01, v13  }
0x6f: {  	v41 =	vmul.f32 v22, v27;
	v15 =	vmul.f32 v18, v15;
	v11 =	vsub.s32 $0x5F3759DF, v20;
	v31 =	vld [tilespmem:s11+$0x0]  }
0x70: {  	v37 =	vadd.f32 $9.999999970e-07, v37;
	v20 =	vmul.f32 $5.000000000e-01, v21;
	v18 =	vmul.f32 v30, v29  }
0x71: {  	v23 =	vmul.f32 v19, v23;
	v35 =	vadd.f32 $9.999999970e-07, v35;
	v29 =	vmul.f32 v22, v41  }
0x72: {  	v32 =	vsub.s32 $0x5F3759DF, v32;
	v19 =	vshrl.u32 v37, $0x1;
	v30 =	vadd.f32 $1.000000000e+00, v15  }
0x73: {  	v15 =	vmul.f32 $5.000000000e-01, v37;
	v29 =	vsub.f32 $1.500000000e+00, v29;
	v42 =	vadd.f32 $1.000000000e+00, v18;
	v41 =	vld [tilespmem:s7+$0x20]  }
0x74: {  	v43 =	vmul.f32 v40, v12;
	v18 =	vadd.f32 $9.999999970e-07, v31;
	v31 =	vmul.f32 v32, v20;
	v44 =	vld.idx.msk [tilespmem:v17+s3+$0x0], $0xffff;
	[tilespmem:s5+$0xFFFFFFD0] =	vst v30  }
0x75: {  	v19 =	vsub.s32 $0x5F3759DF, v19;
	v29 =	vmul.f32 v22, v29;
	v22 =	vmul.f32 v23, v6;
	v6 =	vmovc v21;
	[tilespmem:s5+$0xFFFFFFC0] =	vst v42;
	s5 =	smov.u32 s6;
	s6 =	smov.u32 s10  }
0x76: {  	v12 =	vmovc v38;
	v17 =	vshrl.u32 v35, $0x1;
	v21 =	vshrl.u32 v18, $0x1;
	v23 =	vmul.f32 $5.000000000e-01, v18  }
0x77: {  	v14 =	vmul.f32 v34, v14;
	v30 =	vsub.s32 $0x5F3759DF, v21;
	v21 =	vmul.f32 v29, v27  }
0x78: {  	v24 =	vmul.f32 v16, v24;
	v33 =	vsub.f32 $1.500000000e+00, v33;
	v27 =	vmul.f32 v30, v23  }
0x79: {  	v38 =	vmul.f32 v14, v34;
	v17 =	vsub.s32 $0x5F3759DF, v17;
	v21 =	vmul.f32 v21, v29  }
0x7a: {  	v24 =	vsub.f32 $1.500000000e+00, v24;
	v44 =	vmul.f32 v22, v44;
	v27 =	vmul.f32 v30, v27;
	v42 =	vld [tilespmem:s8+$0x10]  }
0x7b: {  	v14 =	vmul.f32 $5.000000000e-01, v35;
	v46 =	vmul.f32 v32, v31;
	v41 =	vld.idx.msk [tilespmem:v41+s3+$0x0], $0xffff;
	v45 =	vsub.f32 $1.500000000e+00, v21  }
0x7c: {  	v21 =	vmul.f32 v16, v24;
	v16 =	vmul.f32 v33, v36;
	v31 =	vsub.f32 $1.500000000e+00, v27  }
0x7d: {  	v22 =	vmul.f32 $5.000000000e-01, v4;
	v24 =	vshrl.u32 v4, $0x1;
	v29 =	vmul.f32 v45, v29  }
0x7e: {  	v27 =	vmul.f32 v17, v14;
	v45 =	vsub.s32 $0x5F3759DF, v24;
	v30 =	vmul.f32 v30, v31;
	v24 =	vld [tilespmem:s8+$0xFFFFFFF0]  }
0x7f: {  	v33 =	vmul.f32 v43, v40;
	v36 =	vadd.f32 $1.000000000e+00, v44;
	v29 =	vmul.f32 v29, v39;
	v39 =	vld [tilespmem:s8+$0xFFFFFFE0]  }
0x80: {  	v44 =	vadd.f32 $1.000000000e+00, v28;
	v43 =	vmul.f32 v45, v22;
	v31 =	vmul.f32 v11, v12  }
0x81: {  	v28 =	vld [tilespmem:s7+$0x0];
	v29 =	vmul.f32 v29, v41;
	v41 =	vsub.f32 $1.500000000e+00, v33;
	v33 =	vsub.f32 $1.500000000e+00, v38;
	[tilespmem:s5+$0x30] =	vst v36  }
0x82: {  	v36 =	vmul.f32 v45, v43;
	v38 =	vmul.f32 v30, v23;
	v23 =	vsub.f32 $1.500000000e+00, v46;
	[tilespmem:s5+$0x0] =	vst v44;
	v42 =	vld.idx.msk [tilespmem:v42+s3+$0x0], $0xffff  }
0x83: {  	v43 =	vmul.f32 v19, v15;
	v29 =	vadd.f32 $1.000000000e+00, v29;
	v34 =	vmul.f32 v33, v34  }
.Ltmp0:
0x84: {  	v44 =	vsub.f32 $1.500000000e+00, v36;
	v33 =	vmul.f32 v21, v9;
	v36 =	vmul.f32 v41, v40;
	v9 =	vmovc v25;
	(pc) =	sbr.rel @p1 .LBB2_1-.Ltmp0, $4  }
0x85: {  	v23 =	vmul.f32 v32, v23;
	v40 =	vmul.f32 v16, v8;
	v8 =	vmov v37;
	[tilespmem:s10+$0x20] =	vst v29;
	v29 =	vld [tilespmem:s8+$0xFFFFFFC0]  }
0x86: {  	v16 =	vsub.s32 $0x5F3759DF, v26;
	v32 =	vmul.f32 v38, v30;
	v34 =	vmul.f32 v34, v7;
	v7 =	vmovc v35;
	v26 =	vld.idx.msk [tilespmem:v24+s3+$0x0], $0xffff  }
0x87: {  	v25 =	vmul.f32 v45, v44;
	v24 =	vmul.f32 v16, v9;
	v35 =	vld.idx.msk [tilespmem:v39+s3+$0x0], $0xffff  }
0x88: {  	s11 =	sadd.s32 $0x80, s11;
	v38 =	vmul.f32 v19, v43;
	v39 =	vsub.f32 $1.500000000e+00, v32;
	v37 =	vmul.f32 v40, v42;
	v32 =	vld [tilespmem:s8+$0xFFFFFFD0];
	s8 =	smov.u32 s7  }
0x89: {  	v20 =	vmul.f32 v23, v20;
	v3 =	vmul.f32 v36, v3  }
0x8a: {  	v5 =	vmul.f32 v10, v5;
	v33 =	vmul.f32 v33, v21  }
0x8b: {  	v31 =	vmul.f32 v11, v31;
	v27 =	vmul.f32 v17, v27  }
0x8c: {  	v36 =	vmul.f32 v16, v24;
	v44 =	vmul.f32 v25, v22  }
0x8d: {  	v28 =	vld.idx.msk [tilespmem:v28+s3+$0x0], $0xffff;
	v30 =	vmul.f32 v39, v30;
	v59 =	vsub.f32 $1.500000000e+00, v38;
	v5 =	vmul.f32 v5, v10  }
0x8e: {  	v33 =	vsub.f32 $1.500000000e+00, v33;
	v26 =	vmul.f32 v34, v26;
	v20 =	vmul.f32 v20, v23  }
0x8f: {  	v61 =	vld [tilespmem:s8+$0x30];
	v34 =	vsub.f32 $1.500000000e+00, v31;
	v19 =	vmul.f32 v19, v59;
	v18 =	vmul.f32 v30, v18  }
0x90: {  	v40 =	vld [tilespmem:s8+$0xFFFFFFD0];
	v3 =	vmul.f32 v3, v35;
	v5 =	vsub.f32 $1.500000000e+00, v5;
	v62 =	vmul.f32 v33, v21  }
0x91: {  	v29 =	vld.idx.msk [tilespmem:v29+s3+$0x0], $0xffff;
	v63 =	vsub.f32 $1.500000000e+00, v27;
	v38 =	vmul.f32 v11, v34;
	v15 =	vmul.f32 v19, v15  }
0x92: {  	v39 =	vld [tilespmem:s8+$0xFFFFFFE0];
	v20 =	vsub.f32 $1.500000000e+00, v20;
	v18 =	vmul.f32 v18, v28;
	v5 =	vmul.f32 v5, v10  }
0x93: {  	v60 =	vld.idx.msk [tilespmem:v32+s3+$0x0], $0xffff;
	v0 =	vmul.f32 v62, v0;
	v10 =	vmul.f32 v17, v63  }
0x94: {  	v35 =	vadd.f32 $1.000000000e+00, v37;
	v33 =	vld [tilespmem:s8+$0x10];
	v20 =	vmul.f32 v20, v23;
	v12 =	vmul.f32 v38, v12  }
0x95: {  	v37 =	vld [tilespmem:s8+$0xFFFFFFF0];
	v17 =	vsub.f32 $1.500000000e+00, v36;
	v15 =	vmul.f32 v15, v19;
	v1 =	vmul.f32 v5, v1  }
0x96: {  	v41 =	vld [tilespmem:s8+$0xFFFFFFC0];
	v26 =	vadd.f32 $1.000000000e+00, v26;
	v0 =	vmul.f32 v0, v29;
	v14 =	vmul.f32 v10, v14  }
0x97: {  	v3 =	vadd.f32 $1.000000000e+00, v3;
	v42 =	vld.idx.msk [tilespmem:v61+s3+$0x0], $0xffff;
	v43 =	vmul.f32 v16, v17;
	v12 =	vmul.f32 v12, v38  }
0x98: {  	v6 =	vmul.f32 v20, v6;
	v17 =	vmul.f32 v44, v25;
	v15 =	vsub.f32 $1.500000000e+00, v15  }
0x99: {  	v1 =	vmul.f32 v1, v60;
	v9 =	vmul.f32 v43, v9;
	v12 =	vsub.f32 $1.500000000e+00, v12  }
0x9a: {  	v49 =	vld.idx.msk [tilespmem:v39+s3+$0x0], $0xffff;
	v14 =	vmul.f32 v14, v10;
	v50 =	vsub.f32 $1.500000000e+00, v17;
	v15 =	vmul.f32 v15, v19  }
0x9b: {  	v57 =	vadd.f32 $1.000000000e+00, v18;
	v51 =	vld.idx.msk [tilespmem:v40+s3+$0x0], $0xffff;
	v9 =	vmul.f32 v9, v43;
	v11 =	vmul.f32 v12, v38  }
0x9c: {  	[tilespmem:s5+$0x10] =	vst v35;
	v14 =	vsub.f32 $1.500000000e+00, v14;
	v45 =	vld.idx.msk [tilespmem:v33+s3+$0x0], $0xffff;
	v54 =	vmul.f32 v50, v25;
	v47 =	vmul.f32 v6, v42  }
0x9d: {  	[tilespmem:s5+$0xFFFFFFF0] =	vst v26;
	v46 =	vld.idx.msk [tilespmem:v37+s3+$0x0], $0xffff;
	v48 =	vmul.f32 v15, v8;
	v9 =	vsub.f32 $1.500000000e+00, v9;
	v56 =	vmul.f32 v11, v13  }
0x9e: {  	[tilespmem:s5+$0xFFFFFFE0] =	vst v3;
	v53 =	vld.idx.msk [tilespmem:v41+s3+$0x0], $0xffff;
	v0 =	vadd.f32 $1.000000000e+00, v0;
	v10 =	vmul.f32 v14, v10;
	v4 =	vmul.f32 v54, v4  }
0x9f: {  	[tilespmem:s6+$0x0] =	vst v57;
	v1 =	vadd.f32 $1.000000000e+00, v1;
	v9 =	vmul.f32 v9, v43;
	v59 =	vmul.f32 v56, v49  }
0xa0: {  	[tilespmem:s5+$0xFFFFFFC0] =	vst v0;
	v55 =	vadd.f32 $1.000000000e+00, v47;
	v7 =	vmul.f32 v10, v7;
	v4 =	vmul.f32 v4, v51  }
0xa1: {  	[tilespmem:s5+$0xFFFFFFD0] =	vst v1;
	v52 =	vmul.f32 v48, v45;
	v2 =	vmul.f32 v9, v2;
	v61 =	vadd.f32 $1.000000000e+00, v59  }
0xa2: {  	[tilespmem:s6+$0x30] =	vst v55;
	v7 =	vmul.f32 v7, v46;
	v62 =	vadd.f32 $1.000000000e+00, v4  }
0xa3: {  	v58 =	vadd.f32 $1.000000000e+00, v52;
	v2 =	vmul.f32 v2, v53;
	[tilespmem:s6+$0xFFFFFFE0] =	vst v61  }
0xa4: {  	v60 =	vadd.f32 $1.000000000e+00, v7;
	[tilespmem:s6+$0xFFFFFFD0] =	vst v62  }
0xa5: {  	[tilespmem:s6+$0x10] =	vst v58;
	v63 =	vadd.f32 $1.000000000e+00, v2  }
0xa6: {  	s7 =	simm.s32 $0x1800;
	s8 =	simm.s32 $0x4B00;
	[tilespmem:s6+$0xFFFFFFF0] =	vst v60  }
0xa7: {  	s3 =	simm.s32 $0x17F0;
	s5 =	simm.s32 $0x4A00;
	[tilespmem:s6+$0xFFFFFFC0] =	vst v63;
	s6 =	simm.s32 $0x3100  }
.LBB2_3:
0xa8: {  	v0 =	vld [tilespmem:s7+$0x0];
	_ =	sdelay $0x4  }
0xa9: {  	v0 =	vadd.f32 $9.999999970e-07, v0;
	_ =	sdelay $0x1  }
0xaa: {  	v1 =	vshrl.u32 v0, $0x1;
	v2 =	vmul.f32 $5.000000000e-01, v0  }
0xab: {  	v1 =	vsub.s32 $0x5F3759DF, v1  }
0xac: {  	v3 =	vmul.f32 v1, v2;
	_ =	sdelay $0x1  }
0xad: {  	v3 =	vmul.f32 v1, v3;
	_ =	sdelay $0x1  }
0xae: {  	v3 =	vsub.f32 $1.500000000e+00, v3  }
0xaf: {  	v4 =	vld [tilespmem:s6+$0x0]  }
0xb0: {  	v1 =	vmul.f32 v1, v3;
	_ =	sdelay $0x1  }
0xb1: {  	v2 =	vmul.f32 v1, v2;
	_ =	sdelay $0x1  }
0xb2: {  	v2 =	vmul.f32 v2, v1;
	_ =	sdelay $0x1  }
0xb3: {  	v2 =	vsub.f32 $1.500000000e+00, v2  }
0xb4: {  	v63 =	vld.idx.msk [tilespmem:v4+s8+$0x0], $0xffff  }
0xb5: {  	v1 =	vmul.f32 v2, v1;
	_ =	sdelay $0x1  }
0xb6: {  	s3 =	sadd.s32 $0x10, s3;
	v0 =	vmul.f32 v1, v0  }
0xb7: {  	p1 =	slt.u32 s3, $0x1850  }
.Ltmp1:
0xb8: {  	v0 =	vmul.f32 v0, v63;
	(pc) =	sbr.rel @p1 .LBB2_3-.Ltmp1, $3  }
0xb9: {  	_ = 	snop  }
0xba: {  	v0 =	vadd.f32 $1.000000000e+00, v0;
	_ =	sdelay $0x1  }
0xbb: {  	s6 =	sadd.s32 $0x10, s6;
	s7 =	sadd.s32 $0x10, s7;
	[tilespmem:s5+$0x0] =	vst v0;
	s5 =	sadd.s32 $0x10, s5  }
.Ltmp2:
0xbc: {  	(pc) =	sbr.rel @p0 .LBB2_8-.Ltmp2, $3  }
0xbd: {  	_ =	sdelay $0x1  }
0xbe: {  	s3 =	simm.s32 $0x0;
	s5 =	simm.s32 $0x3200  }
0xbf: {  	[hbm4b:s4+s3] =	stream.linear.scatter [tilespmem:s5], [sflag:$0x1], $0x1860, $0x38;
	[tilespmem:$0x4B60] =	vst v63  }
0xc0: {  	s3 =	simm.s32 $0x1870  }
0xc1: {  	v0 =	vld [tilespmem:s3+$0x0];
	_ =	sdelay $0x4  }
0xc2: {  	v1 =	vld [tilespmem:s3+$0xFFFFFFF0];
	v3 =	vadd.f32 $9.999999970e-07, v0;
	_ =	sdelay $0x1  }
0xc3: {  	v2 =	vmul.f32 $5.000000000e-01, v3;
	v0 =	vshrl.u32 v3, $0x1  }
0xc4: {  	v0 =	vsub.s32 $0x5F3759DF, v0  }
0xc5: {  	s28 =	simm.s32 $0x1890;
	v5 =	vmul.f32 v0, v2  }
0xc6: {  	v4 =	vld [tilespmem:s28+$0x0];
	v7 =	vadd.f32 $9.999999970e-07, v1  }
0xc7: {  	v1 =	vmul.f32 v0, v5  }
0xc8: {  	v6 =	vmul.f32 $5.000000000e-01, v7;
	v5 =	vshrl.u32 v7, $0x1  }
0xc9: {  	v8 =	vld [tilespmem:s28+$0xFFFFFFF0];
	v5 =	vsub.s32 $0x5F3759DF, v5;
	v1 =	vsub.f32 $1.500000000e+00, v1  }
0xca: {  	s29 =	simm.s32 $0x3170;
	v9 =	vmul.f32 v5, v6  }
0xcb: {  	v10 =	vld [tilespmem:s29+$0x0];
	v11 =	vadd.f32 $9.999999970e-07, v4;
	v1 =	vmul.f32 v0, v1  }
0xcc: {  	v4 =	vmul.f32 v5, v9  }
0xcd: {  	s30 =	simm.s32 $0x18B0;
	v12 =	vshrl.u32 v11, $0x1;
	v9 =	vmul.f32 $5.000000000e-01, v11;
	v2 =	vmul.f32 v1, v2  }
0xce: {  	v13 =	vld [tilespmem:s29+$0xFFFFFFF0];
	v0 =	vadd.f32 $9.999999970e-07, v8;
	v8 =	vsub.s32 $0x5F3759DF, v12;
	v4 =	vsub.f32 $1.500000000e+00, v4  }
0xcf: {  	v12 =	vld [tilespmem:s30+$0x0];
	v14 =	vmul.f32 v8, v9;
	v2 =	vmul.f32 v2, v1  }
0xd0: {  	v17 =	vld [tilespmem:s30+$0xFFFFFFF0];
	v15 =	vshrl.u32 v0, $0x1;
	v16 =	vmul.f32 $5.000000000e-01, v0;
	v4 =	vmul.f32 v5, v4  }
0xd1: {  	v15 =	vsub.s32 $0x5F3759DF, v15;
	v5 =	vmul.f32 v8, v14;
	v2 =	vsub.f32 $1.500000000e+00, v2  }
0xd2: {  	s3 =	simm.s32 $0x4B00;
	v14 =	vmul.f32 v15, v16;
	v6 =	vmul.f32 v4, v6  }
0xd3: {  	v10 =	vld.idx.msk [tilespmem:v10+s3+$0x0], $0xffff;
	v5 =	vsub.f32 $1.500000000e+00, v5;
	v19 =	vmul.f32 v2, v1  }
0xd4: {  	s4 =	simm.s32 $0x3190;
	v14 =	vmul.f32 v15, v14;
	v2 =	vadd.f32 $9.999999970e-07, v12;
	v6 =	vmul.f32 v6, v4  }
0xd5: {  	v18 =	vld [tilespmem:s4+$0x0];
	v1 =	vadd.f32 $9.999999970e-07, v17;
	v5 =	vmul.f32 v8, v5;
	v3 =	vmul.f32 v19, v3  }
0xd6: {  	v12 =	vmul.f32 $5.000000000e-01, v2;
	v17 =	vsub.f32 $1.500000000e+00, v6;
	v8 =	vshrl.u32 v2, $0x1  }
0xd7: {  	v9 =	vmul.f32 v5, v9;
	v19 =	vld [tilespmem:s4+$0xFFFFFFF0];
	v6 =	vmul.f32 $5.000000000e-01, v1;
	v20 =	vsub.s32 $0x5F3759DF, v8  }
0xd8: {  	v13 =	vld.idx.msk [tilespmem:v13+s3+$0x0], $0xffff;
	v14 =	vsub.f32 $1.500000000e+00, v14;
	v10 =	vmul.f32 v3, v10;
	v22 =	vmul.f32 v20, v12  }
0xd9: {  	v3 =	vshrl.u32 v1, $0x1;
	v9 =	vmul.f32 v9, v5;
	v4 =	vmul.f32 v17, v4  }
0xda: {  	s31 =	simm.s32 $0x18D0;
	v8 =	vsub.s32 $0x5F3759DF, v3;
	v3 =	vmul.f32 v15, v14;
	v15 =	vmul.f32 v20, v22  }
0xdb: {  	v21 =	vld [tilespmem:s31+$0x0];
	v14 =	vmul.f32 v8, v6;
	v9 =	vsub.f32 $1.500000000e+00, v9;
	v4 =	vmul.f32 v4, v7  }
0xdc: {  	v23 =	vld [tilespmem:s31+$0xFFFFFFF0];
	v22 =	vadd.f32 $1.000000000e+00, v10;
	v10 =	vmul.f32 v3, v16;
	v15 =	vsub.f32 $1.500000000e+00, v15  }
0xdd: {  	s6 =	simm.s32 $0x31B0;
	v17 =	vld.idx.msk [tilespmem:v18+s3+$0x0], $0xffff;
	v9 =	vmul.f32 v9, v5;
	v7 =	vmul.f32 v4, v13  }
0xde: {  	v13 =	vld [tilespmem:s6+$0x0];
	v16 =	vmul.f32 v10, v3;
	v10 =	vmul.f32 v20, v15  }
0xdf: {  	v15 =	vmul.f32 v9, v11;
	v9 =	vld.idx.msk [tilespmem:v19+s3+$0x0], $0xffff  }
0xe0: {  	v14 =	vmul.f32 v8, v14;
	v5 =	vadd.f32 $9.999999970e-07, v21;
	v19 =	vmul.f32 v10, v12;
	v12 =	vld [tilespmem:s6+$0xFFFFFFF0]  }
0xe1: {  	v4 =	vadd.f32 $9.999999970e-07, v23  }
0xe2: {  	v11 =	vmul.f32 $5.000000000e-01, v5;
	v18 =	vsub.f32 $1.500000000e+00, v14  }
0xe3: {  	s4 =	simm.s32 $0x4A70;
	v21 =	vshrl.u32 v5, $0x1;
	v20 =	vshrl.u32 v4, $0x1;
	v17 =	vmul.f32 v15, v17  }
0xe4: {  	s7 =	simm.s32 $0x18C0;
	s8 =	simm.s32 $0x18F0;
	s5 =	simm.s32 $0x4A70;
	[tilespmem:s4+$0x0] =	vst v22;
	v14 =	vmul.f32 $5.000000000e-01, v4;
	v16 =	vsub.f32 $1.500000000e+00, v16;
	v15 =	vsub.s32 $0x5F3759DF, v21  }
.LBB2_6:
0xe5: {  	v21 =	vld [tilespmem:s8+$0x0];
	v22 =	vmul.f32 v15, v11;
	v19 =	vmul.f32 v19, v10;
	v17 =	vadd.f32 $1.000000000e+00, v17  }
0xe6: {  	s7 =	sadd.s32 $0x20, s7;
	v16 =	vmul.f32 v16, v3;
	v3 =	vmul.f32 v8, v18;
	v8 =	vsub.s32 $0x5F3759DF, v20;
	s4 =	sadd.s32 $0x20, s4;
	v23 =	vld [tilespmem:s8+$0xFFFFFFF0]  }
0xe7: {  	p0 =	slt.u32 s7, $0x18E0;
	v18 =	vmul.f32 v8, v14;
	v20 =	vmul.f32 v15, v22;
	v22 =	vld.idx.msk [tilespmem:v13+s3+$0x0], $0xffff;
	v19 =	vsub.f32 $1.500000000e+00, v19;
	[tilespmem:s4+$0x0] =	vst v17  }
0xe8: {  	s6 =	sadd.s32 $0x20, s6;
	v25 =	vadd.f32 $1.000000000e+00, v7;
	v17 =	vmul.f32 v3, v6;
	v16 =	vmul.f32 v16, v0;
	v0 =	vmovc v1;
	v24 =	vld.idx.msk [tilespmem:v12+s3+$0x0], $0xffff  }
0xe9: {  	v1 =	vmovc v4;
	v6 =	vmovc v14;
	v18 =	vmul.f32 v8, v18;
	v13 =	vld [tilespmem:s6+$0x0];
	v20 =	vsub.f32 $1.500000000e+00, v20;
	v19 =	vmul.f32 v19, v10  }
.Ltmp3:
0xea: {  	v17 =	vmul.f32 v17, v3;
	v7 =	vmul.f32 v16, v9;
	v14 =	vadd.f32 $9.999999970e-07, v21;
	v12 =	vld [tilespmem:s6+$0xFFFFFFF0];
	[tilespmem:s5+$0xFFFFFFF0] =	vst v25;
	s5 =	smov.u32 s4;
	(pc) =	sbr.rel @p0 .LBB2_6-.Ltmp3, $4  }
0xeb: {  	v4 =	vadd.f32 $9.999999970e-07, v23;
	v10 =	vmul.f32 v15, v20;
	v23 =	vmul.f32 v19, v2;
	v2 =	vmovc v5  }
0xec: {  	v18 =	vsub.f32 $1.500000000e+00, v18;
	v16 =	vsub.f32 $1.500000000e+00, v17;
	v21 =	vmul.f32 $5.000000000e-01, v14;
	v5 =	vmovc v14  }
0xed: {  	v15 =	vshrl.u32 v5, $0x1;
	v19 =	vmul.f32 v10, v11;
	v17 =	vmul.f32 v23, v22  }
0xee: {  	s8 =	sadd.s32 $0x20, s8;
	v20 =	vshrl.u32 v4, $0x1;
	v14 =	vmul.f32 $5.000000000e-01, v4;
	v9 =	vmovc v24;
	v15 =	vsub.s32 $0x5F3759DF, v15;
	v11 =	vmovc v21  }
0xef: {  	v21 =	vmul.f32 v15, v11;
	v20 =	vsub.s32 $0x5F3759DF, v20  }
0xf0: {  	v22 =	vmul.f32 v20, v14  }
0xf1: {  	v21 =	vmul.f32 v15, v21  }
0xf2: {  	v22 =	vmul.f32 v20, v22  }
0xf3: {  	s6 =	sadd.s32 $0x20, s6;
	v21 =	vsub.f32 $1.500000000e+00, v21  }
0xf4: {  	v8 =	vmul.f32 v8, v18;
	v23 =	vld [tilespmem:s6+$0x0];
	v49 =	vsub.f32 $1.500000000e+00, v22  }
0xf5: {  	v19 =	vmul.f32 v19, v10;
	v50 =	vld [tilespmem:s6+$0xFFFFFFF0];
	v48 =	vmul.f32 v15, v21  }
0xf6: {  	v6 =	vmul.f32 v8, v6;
	v20 =	vmul.f32 v20, v49  }
0xf7: {  	v3 =	vmul.f32 v16, v3;
	v51 =	vmul.f32 v48, v11  }
0xf8: {  	v6 =	vmul.f32 v6, v8;
	v52 =	vmul.f32 v20, v14  }
0xf9: {  	v19 =	vsub.f32 $1.500000000e+00, v19;
	v11 =	vmul.f32 v51, v48  }
0xfa: {  	v13 =	vld.idx.msk [tilespmem:v13+s3+$0x0], $0xffff;
	v0 =	vmul.f32 v3, v0;
	v6 =	vsub.f32 $1.500000000e+00, v6;
	v14 =	vmul.f32 v52, v20  }
0xfb: {  	v12 =	vld.idx.msk [tilespmem:v12+s3+$0x0], $0xffff;
	v53 =	vmul.f32 v19, v10;
	v11 =	vsub.f32 $1.500000000e+00, v11  }
0xfc: {  	v0 =	vmul.f32 v0, v9;
	v6 =	vmul.f32 v6, v8;
	v54 =	vld.idx.msk [tilespmem:v23+s3+$0x0], $0xffff;
	v56 =	vsub.f32 $1.500000000e+00, v14  }
0xfd: {  	v2 =	vmul.f32 v53, v2;
	v57 =	vld.idx.msk [tilespmem:v50+s3+$0x0], $0xffff;
	v55 =	vmul.f32 v11, v48  }
0xfe: {  	v58 =	vadd.f32 $1.000000000e+00, v17;
	v1 =	vmul.f32 v6, v1;
	v59 =	vmul.f32 v56, v20  }
0xff: {  	s26 =	sadd.s32 $0x20, s4;
	v7 =	vadd.f32 $1.000000000e+00, v7;
	v2 =	vmul.f32 v2, v13;
	v3 =	vmul.f32 v55, v5  }
0x100: {  	[tilespmem:s26+$0x0] =	vst v58;
	v0 =	vadd.f32 $1.000000000e+00, v0;
	v1 =	vmul.f32 v1, v12;
	v4 =	vmul.f32 v59, v4  }
0x101: {  	[tilespmem:s5+$0xFFFFFFF0] =	vst v7;
	v2 =	vadd.f32 $1.000000000e+00, v2;
	v3 =	vmul.f32 v3, v54  }
0x102: {  	s4 =	sadd.s32 $0x20, s26;
	[tilespmem:s26+$0xFFFFFFF0] =	vst v0;
	v62 =	vadd.f32 $1.000000000e+00, v1;
	v61 =	vmul.f32 v4, v57  }
0x103: {  	[tilespmem:s4+$0x0] =	vst v2;
	v60 =	vadd.f32 $1.000000000e+00, v3  }
0x104: {  	s28 =	sadd.s32 $0x20, s4;
	[tilespmem:s4+$0xFFFFFFF0] =	vst v62;
	v63 =	vadd.f32 $1.000000000e+00, v61  }
0x105: {  	[tilespmem:s28+$0x0] =	vst v60  }
0x106: {  	s29 =	simm.s32 $0x0;
	s30 =	simm.s32 $0x4A60;
	s31 =	simm.s32 $0x1;
	[tilespmem:s28+$0xFFFFFFF0] =	vst v63  }
0x107: {  	[hbm4b:s2+s29] =	stream.linear.scatter [tilespmem:s30], [sflag:$0x1], $0xA0, $0x38;
	[tilespmem:$0x4B60] =	vst v63  }
0x108: {  	_ =	swait.ge [sflag:s31], $0xA0  }
0x109: {  	[sflag:s31] =	ssyncset.done $0x0  }
0x10a: {  	[sflag:s31] =	ssyncadd.s32 $0xFFFFFF60  }
.LBB2_8:
0x10b: {  	s2 =	simm.s32 $0x1  }
0x10c: {  	_ =	swait.ge [sflag:s2], $0x1860  }
0x10d: {  	[sflag:s2] =	ssyncset.done $0x0  }
0x10e: {  	[sflag:s2] =	ssyncadd.s32 $0xFFFFE7A0  }
0x10f: {  	_ =	sfence.sel $0x180000  }
0x110: {  	[bflag:$0x0] =	sbarrier.arrive $0xFFFF  }
0x111: {  	p0 =	sne.s32 s1, $0x0;
	_ =	strace $0x90000047  }
0x112: {  	s0 =	sadd.s32 @!p0 $0x100000, s0;
	[bflag:$0x2] =	sbarrier.arrive $0xFFFF  }
0x113: {  	[sflag:s0] =	ssyncadd.tile.s32 @!p0 $0x1;
	_ =	shalt  }
.Lfunc_end2:
_tile_overlayer_lowered:
.L_overlay_start_2:
0x114: {  	(tag) =	ssettag $0x2  }
0x115: {  	s0 =	rddreg [dreg:$0x0];
	s2 =	stileid.u32  }
0x116: {  	s1 =	rddreg [dreg:$0x1];
	p0 =	sne.s32 s2, $0x0  }
0x117: {  	s3 =	rddreg [dreg:$0x2];
	[bflag:$0x3] =	sbarrier.arrive $0xFFFF;
	s2 =	simm.s32 @!p0 $0x1C02  }
0x118: {  	[timem:s3], [sflag:s2] =	dma.local @!p0 [hbm:s0], s1  }
0x119: {  	s0 =	simm.s32 @!p0 $0x2  }
0x11a: {  	_ =	swait.ge @!p0 [sflag:s0], s1  }
0x11b: {  	s1 =	ssub.s32 @!p0 $0x0, s1;
	[sflag:s0] =	ssyncset.done @!p0 $0x0  }
0x11c: {  	[sflag:s0] =	ssyncadd.s32 @!p0 s1  }
0x11d: {  	[bflag:$0x3] =	sbarrier.arrive $0xFFFF  }
0x11e: {  	_ =	shalt  }

</sc_bundles>
